<compile_context>
chip_gen: v7x
topology: tpu7x:2x2x1
jax: 0.10.2.dev20260603
libtpu: 0.0.44.dev20260713+nightly
codegen_flags: <defaults>
</compile_context>

<pallas_src>
import functools

import numpy as np
import jax
import jax.numpy as jnp
from jax import lax
from jax.experimental import pallas as pl
from jax.experimental.pallas import tpu as pltpu
from jax.experimental.pallas import tpu_sc as plsc

N = 10000
E = 160000
IN_DIM = 8
HID = 16
OUT = 16
EDIM = 4

NC, NS = 2, 16
NW = NC * NS
EPW = E // NW
ROWS_PT = N // NS

EB = 3200
EBP = EB // 8

_EI3 = np.kron(np.eye(HID, dtype=np.float32), np.ones((1, 16), np.float32))
_S = np.kron(np.ones((HID, 1), np.float32), np.eye(OUT, dtype=np.float32))

_mesh = plsc.VectorSubcoreMesh(
    core_axis_name="c", subcore_axis_name="s", num_cores=NC, num_subcores=NS)
_SC_PARAMS = pltpu.CompilerParams(use_tc_tiling_on_sc=False)



@functools.partial(
    pl.kernel, mesh=_mesh, compiler_params=_SC_PARAMS,
    out_type=jax.ShapeDtypeStruct((E, HID), jnp.float32),
    scratch_types=[
        pltpu.VMEM((EPW,), jnp.int32),
        pltpu.VMEM((EPW, HID), jnp.float32),
        pltpu.SemaphoreType.DMA,
    ],
)
def _sc_gather(table_hbm, ei_hbm, out_hbm, idx_v, rows_v, sem):
    wid = lax.axis_index("s") * NC + lax.axis_index("c")
    base = wid * EPW
    pltpu.sync_copy(ei_hbm.at[0, pl.ds(base, EPW)], idx_v)
    pltpu.async_copy(table_hbm.at[idx_v], rows_v, sem).wait()
    pltpu.sync_copy(rows_v, out_hbm.at[pl.ds(base, EPW)])



@functools.partial(
    pl.kernel, mesh=_mesh, compiler_params=_SC_PARAMS,
    out_type=jax.ShapeDtypeStruct((NC, N, HID), jnp.float32),
    scratch_types=[
        pltpu.VMEM((EPW,), jnp.int32),
        pltpu.VMEM((EPW, HID), jnp.float32),
        pltpu.VMEM_SHARED((N, HID), jnp.float32),
    ],
)
def _sc_scatter(msg_hbm, ei_hbm, zeros_hbm, out_hbm, idx_v, vals_v, table_sh):
    cid = lax.axis_index("c")
    sid = lax.axis_index("s")
    wid = sid * NC + cid
    base = wid * EPW

    @pl.when(sid == 0)
    def _():
        pltpu.sync_copy(zeros_hbm, table_sh)

    plsc.subcore_barrier()
    pltpu.sync_copy(ei_hbm.at[1, pl.ds(base, EPW)], idx_v)
    pltpu.sync_copy(msg_hbm.at[pl.ds(base, EPW)], vals_v)
    pltpu.sync_copy(vals_v, table_sh.at[idx_v], add=True)
    plsc.subcore_barrier()
    rbase = sid * ROWS_PT
    pltpu.sync_copy(table_sh.at[pl.ds(rbase, ROWS_PT)],
                    out_hbm.at[cid, pl.ds(rbase, ROWS_PT)])



@functools.partial(
    pl.kernel, mesh=_mesh, compiler_params=_SC_PARAMS,
    out_type=jax.ShapeDtypeStruct((NC, N), jnp.float32),
    scratch_types=[
        pltpu.VMEM((EPW,), jnp.int32),
        pltpu.VMEM((EPW,), jnp.float32),
        pltpu.VMEM_SHARED((N,), jnp.float32),
    ],
)
def _sc_count(ei_hbm, zeros_hbm, ones_hbm, out_hbm, idx_v, ones_v, table_sh):
    cid = lax.axis_index("c")
    sid = lax.axis_index("s")
    wid = sid * NC + cid
    base = wid * EPW

    @pl.when(sid == 0)
    def _():
        pltpu.sync_copy(zeros_hbm, table_sh)

    plsc.subcore_barrier()
    pltpu.sync_copy(ei_hbm.at[1, pl.ds(base, EPW)], idx_v)
    pltpu.sync_copy(ones_hbm, ones_v)
    pltpu.sync_copy(ones_v, table_sh.at[idx_v], add=True)
    plsc.subcore_barrier()

    @pl.when(sid == 0)
    def _():
        pltpu.sync_copy(table_sh, out_hbm.at[cid])



def _tc_in_body(x_ref, w_ref, b_ref, out_ref):
    out_ref[...] = jnp.dot(x_ref[...], w_ref[...],
                           preferred_element_type=jnp.float32) + b_ref[...]


def _tc_in(x, W_in, b_in):
    return pl.pallas_call(
        _tc_in_body,
        out_shape=jax.ShapeDtypeStruct((N, HID), jnp.float32),
    )(x, W_in, b_in.reshape(1, HID))


def _tc_edge_body(eat_ref, xjp_ref, w1_ref, b1_ref, w2_ref, brep_ref, ei_ref,
                  s_ref, out_ref):
    h2r = jnp.maximum(
        lax.dot_general(eat_ref[...], w1_ref[...], (((0,), (0,)), ((), ())),
                        preferred_element_type=jnp.float32)
        + b1_ref[...], 0.0)
    h3 = jnp.reshape(h2r, (EBP, 8, 32))
    h2 = jnp.concatenate([h3[:, j, :] for j in range(8)], axis=0)
    xjp = xjp_ref[...]
    xj = jnp.concatenate([xjp[:, 16 * j:16 * (j + 1)] for j in range(8)],
                         axis=0)
    g = (jnp.dot(h2, w2_ref[...], preferred_element_type=jnp.float32)
         + brep_ref[...])
    xrep = jnp.dot(xj, ei_ref[...], preferred_element_type=jnp.float32)
    msg = jnp.dot(g * xrep, s_ref[...], preferred_element_type=jnp.float32)
    out_ref[...] = jnp.concatenate(
        [msg[j * EBP:(j + 1) * EBP, :] for j in range(8)], axis=1)


def _tc_edge(ea_t, xjp, enW1, enb1, enW2, enb2):
    full = lambda i: (0, 0)
    return pl.pallas_call(
        _tc_edge_body,
        grid=(E // EB,),
        in_specs=[
            pl.BlockSpec((EDIM, EB), lambda i: (0, i)),
            pl.BlockSpec((EBP, 128), lambda i: (i, 0)),
            pl.BlockSpec((EDIM, 32), full),
            pl.BlockSpec((1, 32), full),
            pl.BlockSpec((32, 256), full),
            pl.BlockSpec((1, 256), full),
            pl.BlockSpec((HID, 256), full),
            pl.BlockSpec((256, OUT), full),
        ],
        out_specs=pl.BlockSpec((EBP, 128), lambda i: (i, 0)),
        out_shape=jax.ShapeDtypeStruct((E // 8, 128), jnp.float32),
    )(ea_t, xjp, enW1, enb1.reshape(1, 32), enW2, enb2.reshape(1, 256),
      _EI3, _S)


def _tc_node_body(part_ref, cnt_ref, h_ref, root_ref, bias_ref, w_ref, b_ref,
                  ms_ref, out_ref, *, leaky):
    s = part_ref[0] + part_ref[1]
    cnt = cnt_ref[0] + cnt_ref[1]
    inv = 1.0 / jnp.maximum(cnt, 1.0)
    y = (s * inv
         + jnp.dot(h_ref[...], root_ref[...], preferred_element_type=jnp.float32)
         + bias_ref[...])
    mean = jnp.mean(y, axis=0, keepdims=True)
    o = y - ms_ref[...] * mean
    var = jnp.mean(o * o, axis=0, keepdims=True)
    o = w_ref[...] * o * jax.lax.rsqrt(var + 1e-5) + b_ref[...]
    if leaky:
        o = jnp.where(o >= 0, o, 0.2 * o)
    out_ref[...] = o


def _tc_node(part, cnt_part, h_prev, root, bias, gn_w, gn_b, gn_ms, leaky):
    d = root.shape[1]
    return pl.pallas_call(
        functools.partial(_tc_node_body, leaky=leaky),
        out_shape=jax.ShapeDtypeStruct((N, d), jnp.float32),
    )(part, cnt_part.reshape(NC, N, 1), h_prev, root, bias.reshape(1, d),
      gn_w.reshape(1, d), gn_b.reshape(1, d), gn_ms.reshape(1, d))



def kernel(x, edge_index, edge_attr, W_in, b_in, en1_W1, en1_b1, en1_W2, en1_b2,
           root1, bias1, gn1_w, gn1_b, gn1_ms, en2_W1, en2_b1, en2_W2, en2_b2,
           root2, bias2, gn2_w, gn2_b, gn2_ms):
    zeros2d = jnp.zeros((N, HID), jnp.float32)
    zeros1d = jnp.zeros((N,), jnp.float32)
    ones1d = jnp.ones((EPW,), jnp.float32)

    h = _tc_in(x, W_in, b_in)
    cnt_part = _sc_count(edge_index, zeros1d, ones1d)
    ea_t = edge_attr.T

    xj1 = _sc_gather(h, edge_index).reshape(E // 8, 128)
    msg1 = _tc_edge(ea_t, xj1, en1_W1, en1_b1, en1_W2, en1_b2)
    part1 = _sc_scatter(msg1.reshape(E, HID), edge_index, zeros2d)
    h1 = _tc_node(part1, cnt_part, h, root1, bias1, gn1_w, gn1_b, gn1_ms,
                  leaky=True)

    xj2 = _sc_gather(h1, edge_index).reshape(E // 8, 128)
    msg2 = _tc_edge(ea_t, xj2, en2_W1, en2_b1, en2_W2, en2_b2)
    part2 = _sc_scatter(msg2.reshape(E, HID), edge_index, zeros2d)
    return _tc_node(part2, cnt_part, h1, root2, bias2, gn2_w, gn2_b, gn2_ms,
                    leaky=False)

# --- scband reference (transcript-rebuilt; emitter-appended) ---
"""Pipeline reference for scband-edge-conditioned-gnn-42494406426959 (READ-ONLY COPY).

The authoritative reference and input builder live on the scoring server;
editing this copy changes nothing except your own understanding.
"""

import jax, jax.numpy as jnp
import numpy as np

N = 10000
E = 160000
IN_DIM = 8
HID = 16
OUT = 16
EDIM = 4


def _param(key, shape, scale=0.1):
    return jax.random.normal(key, shape, dtype=jnp.float32) * scale


def setup_inputs(seed: int = 0) -> dict:
    key = jax.random.key(seed)
    ks = jax.random.split(key, 16)
    inp = {}
    inp["x"] = jax.random.normal(ks[0], (N, IN_DIM), dtype=jnp.float32)
    inp["edge_index"] = jax.random.randint(ks[1], (2, E), 0, N, dtype=jnp.int32)
    inp["edge_attr"] = jax.random.normal(ks[2], (E, EDIM), dtype=jnp.float32)
    inp["W_in"] = _param(ks[3], (IN_DIM, HID))
    inp["b_in"] = jnp.zeros((HID,), jnp.float32)
    inp["en1_W1"] = _param(ks[4], (EDIM, 32))
    inp["en1_b1"] = jnp.zeros((32,), jnp.float32)
    inp["en1_W2"] = _param(ks[5], (32, HID * HID))
    inp["en1_b2"] = jnp.zeros((HID * HID,), jnp.float32)
    inp["root1"] = _param(ks[6], (HID, HID))
    inp["bias1"] = jnp.zeros((HID,), jnp.float32)
    inp["gn1_w"] = jnp.ones((HID,), jnp.float32)
    inp["gn1_b"] = jnp.zeros((HID,), jnp.float32)
    inp["gn1_ms"] = jnp.ones((HID,), jnp.float32)
    inp["en2_W1"] = _param(ks[7], (EDIM, 32))
    inp["en2_b1"] = jnp.zeros((32,), jnp.float32)
    inp["en2_W2"] = _param(ks[8], (32, HID * OUT))
    inp["en2_b2"] = jnp.zeros((HID * OUT,), jnp.float32)
    inp["root2"] = _param(ks[9], (HID, OUT))
    inp["bias2"] = jnp.zeros((OUT,), jnp.float32)
    inp["gn2_w"] = jnp.ones((OUT,), jnp.float32)
    inp["gn2_b"] = jnp.zeros((OUT,), jnp.float32)
    inp["gn2_ms"] = jnp.ones((OUT,), jnp.float32)
    return inp


def _nnconv(x, src, dst, edge_attr, enW1, enb1, enW2, enb2, root, bias, in_dim, out_dim):
    # edge_nn: Linear(edge_dim,32) -> ReLU -> Linear(32, in*out)
    h = jnp.maximum(edge_attr @ enW1 + enb1, 0.0)
    w = (h @ enW2 + enb2).reshape(-1, in_dim, out_dim)  # per-edge weight matrices
    xj = jnp.take(x, src, axis=0)  # gather source node features [E, in]
    msg = jnp.einsum('ei,eio->eo', xj, w)  # [E, out]
    num = x.shape[0]
    s = jax.ops.segment_sum(msg, dst, num_segments=num)
    cnt = jax.ops.segment_sum(jnp.ones((msg.shape[0],), jnp.float32), dst, num_segments=num)
    agg = s / jnp.maximum(cnt, 1.0)[:, None]  # mean aggregation
    return agg + x @ root + bias


def _graphnorm(x, w, b, ms, eps=1e-5):
    mean = jnp.mean(x, axis=0, keepdims=True)
    out = x - ms * mean
    var = jnp.mean(out * out, axis=0, keepdims=True)
    return w * out / jnp.sqrt(var + eps) + b


def reference(x, edge_index, edge_attr, W_in, b_in, en1_W1, en1_b1, en1_W2, en1_b2, root1, bias1, gn1_w, gn1_b, gn1_ms, en2_W1, en2_b1, en2_W2, en2_b2, root2, bias2, gn2_w, gn2_b, gn2_ms):
    src = edge_index[0]
    dst = edge_index[1]
    h = x @ W_in + b_in
    h1 = _nnconv(h, src, dst, edge_attr, en1_W1, en1_b1, en1_W2, en1_b2, root1, bias1, HID, HID)
    h1 = _graphnorm(h1, gn1_w, gn1_b, gn1_ms)
    h1 = jnp.where(h1 >= 0, h1, 0.2 * h1)  # LeakyReLU(0.2); dropout is identity in eval
    h2 = _nnconv(h1, src, dst, edge_attr, en2_W1, en2_b1, en2_W2, en2_b2, root2, bias2, HID, OUT)
    h2 = _graphnorm(h2, gn2_w, gn2_b, gn2_ms)
    return h2

if __name__ == "__main__":
    import jax
    _d = setup_inputs()
    print(jax.jit(kernel)(*tuple(_d.values())))

</pallas_src>

<mosaic_0001>
#map = affine_map<(d0, d1) -> (0, 0)>
#map1 = affine_map<(d0, d1) -> (0, 0, 0)>
module attributes {stable_mosaic.version = 14 : i64} {
  func.func @_sc_scatter(%arg0: i32, %arg1: i32, %arg2: memref<160000x16xf32, #tpu.memory_space<hbm>>, %arg3: memref<2x160000xi32, #tpu.memory_space<hbm>>, %arg4: memref<10000x16xf32, #tpu.memory_space<hbm>>, %arg5: memref<2x10000x16xf32, #tpu.memory_space<hbm>>, %arg6: memref<5000xi32, #tpu.memory_space<vmem>>, %arg7: memref<5000x16xf32, #tpu.memory_space<vmem>>, %arg8: memref<10000x16xf32, #tpu.memory_space<vmem_shared>>) attributes {dimension_semantics = [#tpu.dimension_semantics<core_parallel>, #tpu.dimension_semantics<subcore_parallel>], iteration_bounds = array<i64: 2, 16>, scalar_prefetch = 0 : i64, scratch_operands = 3 : i64, tpu.core_type = #tpu.core_type<sc_vector_subcore>, window_params = [{transform_indices = #map}, {transform_indices = #map}, {transform_indices = #map}, {transform_indices = #map1}]} {
    %mul3A = arith.constant 2 : i32
    %mul3A_0 = arith.muli %arg1, %mul3A : i32
    %add3A = arith.addi %mul3A_0, %arg0 : i32
    %mul3A_1 = arith.constant 5000 : i32
    %mul3A_2 = arith.muli %add3A, %mul3A_1 : i32
    %eq3A = arith.constant 0 : i32
    %eq3A_3 = arith.cmpi eq, %arg1, %eq3A : i32
    %convert_element_type3A = arith.extui %eq3A_3 : i1 to i32
    %cond3A = arith.constant 0 : i32
    %cond3A_4 = arith.cmpi ne, %convert_element_type3A, %cond3A : i32
    scf.if %cond3A_4 {
      "tpu.region"() ({
        %run_scoped3A_8 = tpu.sem_alloc : memref<!tpu.dma_semaphore, #tpu.memory_space<semaphore_mem>>
        tpu.enqueue_dma source(%arg4 : memref<10000x16xf32, #tpu.memory_space<hbm>>) target(%arg8 : memref<10000x16xf32, #tpu.memory_space<vmem_shared>>) target_semaphore(%run_scoped3A_8 : memref<!tpu.dma_semaphore, #tpu.memory_space<semaphore_mem>>)
        tpu.wait_dma2 semaphore(%run_scoped3A_8 : memref<!tpu.dma_semaphore, #tpu.memory_space<semaphore_mem>>) src(%arg4 : memref<10000x16xf32, #tpu.memory_space<hbm>>) dst(%arg8 : memref<10000x16xf32, #tpu.memory_space<vmem_shared>>)
        tpu.yield
      }) : () -> ()
    } else {
    }
    %barrier3A = arith.constant 0 : index
    tpu.barrier barrier_id(%barrier3A)
    %run_scoped3A = arith.constant 1 : i32
    "tpu.region"() ({
      %run_scoped3A_8 = tpu.sem_alloc : memref<!tpu.dma_semaphore, #tpu.memory_space<semaphore_mem>>
      %dma_start3A = tpu.memref_slice %arg3[%run_scoped3A, %mul3A_2] : memref<2x160000xi32, #tpu.memory_space<hbm>> -> memref<1x5000xi32, #tpu.memory_space<hbm>>
      %dma_start3A_9 = tpu.memref_squeeze %dma_start3A : memref<1x5000xi32, #tpu.memory_space<hbm>> -> memref<5000xi32, #tpu.memory_space<hbm>>
      %dma_start3A_10 = tpu.memref_slice %arg3[%run_scoped3A, %mul3A_2] : memref<2x160000xi32, #tpu.memory_space<hbm>> -> memref<1x5000xi32, #tpu.memory_space<hbm>>
      %dma_start3A_11 = tpu.memref_squeeze %dma_start3A_10 : memref<1x5000xi32, #tpu.memory_space<hbm>> -> memref<5000xi32, #tpu.memory_space<hbm>>
      tpu.enqueue_dma source(%dma_start3A_11 : memref<5000xi32, #tpu.memory_space<hbm>>) target(%arg6 : memref<5000xi32, #tpu.memory_space<vmem>>) target_semaphore(%run_scoped3A_8 : memref<!tpu.dma_semaphore, #tpu.memory_space<semaphore_mem>>)
      %dma_wait3A = tpu.memref_slice %arg3[%run_scoped3A, %mul3A_2] : memref<2x160000xi32, #tpu.memory_space<hbm>> -> memref<1x5000xi32, #tpu.memory_space<hbm>>
      %dma_wait3A_12 = tpu.memref_squeeze %dma_wait3A : memref<1x5000xi32, #tpu.memory_space<hbm>> -> memref<5000xi32, #tpu.memory_space<hbm>>
      %dma_wait3A_13 = tpu.memref_slice %arg3[%run_scoped3A, %mul3A_2] : memref<2x160000xi32, #tpu.memory_space<hbm>> -> memref<1x5000xi32, #tpu.memory_space<hbm>>
      %dma_wait3A_14 = tpu.memref_squeeze %dma_wait3A_13 : memref<1x5000xi32, #tpu.memory_space<hbm>> -> memref<5000xi32, #tpu.memory_space<hbm>>
      tpu.wait_dma2 semaphore(%run_scoped3A_8 : memref<!tpu.dma_semaphore, #tpu.memory_space<semaphore_mem>>) src(%dma_wait3A_14 : memref<5000xi32, #tpu.memory_space<hbm>>) dst(%arg6 : memref<5000xi32, #tpu.memory_space<vmem>>)
      tpu.yield
    }) : () -> ()
    "tpu.region"() ({
      %run_scoped3A_8 = tpu.sem_alloc : memref<!tpu.dma_semaphore, #tpu.memory_space<semaphore_mem>>
      %dma_start3A = arith.constant 0 : i32
      %dma_start3A_9 = tpu.memref_slice %arg2[%mul3A_2, %dma_start3A] : memref<160000x16xf32, #tpu.memory_space<hbm>> -> memref<5000x16xf32, #tpu.memory_space<hbm>>
      %dma_start3A_10 = arith.constant 0 : i32
      %dma_start3A_11 = tpu.memref_slice %arg2[%mul3A_2, %dma_start3A_10] : memref<160000x16xf32, #tpu.memory_space<hbm>> -> memref<5000x16xf32, #tpu.memory_space<hbm>>
      tpu.enqueue_dma source(%dma_start3A_11 : memref<5000x16xf32, #tpu.memory_space<hbm>>) target(%arg7 : memref<5000x16xf32, #tpu.memory_space<vmem>>) target_semaphore(%run_scoped3A_8 : memref<!tpu.dma_semaphore, #tpu.memory_space<semaphore_mem>>)
      %dma_wait3A = arith.constant 0 : i32
      %dma_wait3A_12 = tpu.memref_slice %arg2[%mul3A_2, %dma_wait3A] : memref<160000x16xf32, #tpu.memory_space<hbm>> -> memref<5000x16xf32, #tpu.memory_space<hbm>>
      %dma_wait3A_13 = arith.constant 0 : i32
      %dma_wait3A_14 = tpu.memref_slice %arg2[%mul3A_2, %dma_wait3A_13] : memref<160000x16xf32, #tpu.memory_space<hbm>> -> memref<5000x16xf32, #tpu.memory_space<hbm>>
      tpu.wait_dma2 semaphore(%run_scoped3A_8 : memref<!tpu.dma_semaphore, #tpu.memory_space<semaphore_mem>>) src(%dma_wait3A_14 : memref<5000x16xf32, #tpu.memory_space<hbm>>) dst(%arg7 : memref<5000x16xf32, #tpu.memory_space<vmem>>)
      tpu.yield
    }) : () -> ()
    "tpu.region"() ({
      %run_scoped3A_8 = tpu.sem_alloc : memref<!tpu.dma_semaphore, #tpu.memory_space<semaphore_mem>>
      %dma_start3A = arith.constant 0 : i32
      %dma_start3A_9 = arith.constant 0 : i32
      %dma_start3A_10 = tpu.memref_slice %arg8[%dma_start3A, %dma_start3A_9] : memref<10000x16xf32, #tpu.memory_space<vmem_shared>> -> memref<10000x16xf32, #tpu.memory_space<vmem_shared>>
      tpu.enqueue_indirect_dma source(%arg7 : memref<5000x16xf32, #tpu.memory_space<vmem>>) target(%dma_start3A_10 : memref<10000x16xf32, #tpu.memory_space<vmem_shared>>) offsets(%arg6 : memref<5000xi32, #tpu.memory_space<vmem>>) semaphore(%run_scoped3A_8 : memref<!tpu.dma_semaphore, #tpu.memory_space<semaphore_mem>>) {add = true}
      %dma_wait3A = arith.constant 0 : i32
      %dma_wait3A_11 = arith.constant 0 : i32
      %dma_wait3A_12 = tpu.memref_slice %arg8[%dma_wait3A, %dma_wait3A_11] : memref<10000x16xf32, #tpu.memory_space<vmem_shared>> -> memref<10000x16xf32, #tpu.memory_space<vmem_shared>>
      tpu.wait_indirect_dma semaphore(%run_scoped3A_8 : memref<!tpu.dma_semaphore, #tpu.memory_space<semaphore_mem>>) src(%arg7 : memref<5000x16xf32, #tpu.memory_space<vmem>>) dst(%dma_wait3A_12 : memref<10000x16xf32, #tpu.memory_space<vmem_shared>>)
      tpu.yield
    }) : () -> ()
    %barrier3A_5 = arith.constant 0 : index
    tpu.barrier barrier_id(%barrier3A_5)
    %mul3A_6 = arith.constant 625 : i32
    %mul3A_7 = arith.muli %arg1, %mul3A_6 : i32
    "tpu.region"() ({
      %run_scoped3A_8 = tpu.sem_alloc : memref<!tpu.dma_semaphore, #tpu.memory_space<semaphore_mem>>
      %dma_start3A = arith.constant 0 : i32
      %dma_start3A_9 = tpu.memref_slice %arg5[%arg0, %mul3A_7, %dma_start3A] : memref<2x10000x16xf32, #tpu.memory_space<hbm>> -> memref<1x625x16xf32, #tpu.memory_space<hbm>>
      %dma_start3A_10 = tpu.memref_squeeze %dma_start3A_9 : memref<1x625x16xf32, #tpu.memory_space<hbm>> -> memref<625x16xf32, #tpu.memory_space<hbm>>
      %dma_start3A_11 = arith.constant 0 : i32
      %dma_start3A_12 = tpu.memref_slice %arg8[%mul3A_7, %dma_start3A_11] : memref<10000x16xf32, #tpu.memory_space<vmem_shared>> -> memref<625x16xf32, #tpu.memory_space<vmem_shared>>
      tpu.enqueue_dma source(%dma_start3A_12 : memref<625x16xf32, #tpu.memory_space<vmem_shared>>) target(%dma_start3A_10 : memref<625x16xf32, #tpu.memory_space<hbm>>) target_semaphore(%run_scoped3A_8 : memref<!tpu.dma_semaphore, #tpu.memory_space<semaphore_mem>>)
      %dma_wait3A = arith.constant 0 : i32
      %dma_wait3A_13 = tpu.memref_slice %arg5[%arg0, %mul3A_7, %dma_wait3A] : memref<2x10000x16xf32, #tpu.memory_space<hbm>> -> memref<1x625x16xf32, #tpu.memory_space<hbm>>
      %dma_wait3A_14 = tpu.memref_squeeze %dma_wait3A_13 : memref<1x625x16xf32, #tpu.memory_space<hbm>> -> memref<625x16xf32, #tpu.memory_space<hbm>>
      %dma_wait3A_15 = arith.constant 0 : i32
      %dma_wait3A_16 = tpu.memref_slice %arg8[%mul3A_7, %dma_wait3A_15] : memref<10000x16xf32, #tpu.memory_space<vmem_shared>> -> memref<625x16xf32, #tpu.memory_space<vmem_shared>>
      tpu.wait_dma2 semaphore(%run_scoped3A_8 : memref<!tpu.dma_semaphore, #tpu.memory_space<semaphore_mem>>) src(%dma_wait3A_16 : memref<625x16xf32, #tpu.memory_space<vmem_shared>>) dst(%dma_wait3A_14 : memref<625x16xf32, #tpu.memory_space<hbm>>)
      tpu.yield
    }) : () -> ()
    return
  }
}

#map = affine_map<(d0, d1) -> (0, 0)>
module attributes {stable_mosaic.version = 14 : i64} {
  func.func @_sc_gather(%arg0: i32, %arg1: i32, %arg2: memref<10000x16xf32, #tpu.memory_space<hbm>>, %arg3: memref<2x160000xi32, #tpu.memory_space<hbm>>, %arg4: memref<160000x16xf32, #tpu.memory_space<hbm>>, %arg5: memref<5000xi32, #tpu.memory_space<vmem>>, %arg6: memref<5000x16xf32, #tpu.memory_space<vmem>>, %arg7: memref<!tpu.dma_semaphore, #tpu.memory_space<semaphore_mem>>) attributes {dimension_semantics = [#tpu.dimension_semantics<core_parallel>, #tpu.dimension_semantics<subcore_parallel>], iteration_bounds = array<i64: 2, 16>, scalar_prefetch = 0 : i64, scratch_operands = 3 : i64, tpu.core_type = #tpu.core_type<sc_vector_subcore>, window_params = [{transform_indices = #map}, {transform_indices = #map}, {transform_indices = #map}]} {
    %mul3A = arith.constant 2 : i32
    %mul3A_0 = arith.muli %arg1, %mul3A : i32
    %add3A = arith.addi %mul3A_0, %arg0 : i32
    %mul3A_1 = arith.constant 5000 : i32
    %mul3A_2 = arith.muli %add3A, %mul3A_1 : i32
    %run_scoped3A = arith.constant 0 : i32
    "tpu.region"() ({
      %run_scoped3A_7 = tpu.sem_alloc : memref<!tpu.dma_semaphore, #tpu.memory_space<semaphore_mem>>
      %dma_start3A_8 = tpu.memref_slice %arg3[%run_scoped3A, %mul3A_2] : memref<2x160000xi32, #tpu.memory_space<hbm>> -> memref<1x5000xi32, #tpu.memory_space<hbm>>
      %dma_start3A_9 = tpu.memref_squeeze %dma_start3A_8 : memref<1x5000xi32, #tpu.memory_space<hbm>> -> memref<5000xi32, #tpu.memory_space<hbm>>
      %dma_start3A_10 = tpu.memref_slice %arg3[%run_scoped3A, %mul3A_2] : memref<2x160000xi32, #tpu.memory_space<hbm>> -> memref<1x5000xi32, #tpu.memory_space<hbm>>
      %dma_start3A_11 = tpu.memref_squeeze %dma_start3A_10 : memref<1x5000xi32, #tpu.memory_space<hbm>> -> memref<5000xi32, #tpu.memory_space<hbm>>
      tpu.enqueue_dma source(%dma_start3A_11 : memref<5000xi32, #tpu.memory_space<hbm>>) target(%arg5 : memref<5000xi32, #tpu.memory_space<vmem>>) target_semaphore(%run_scoped3A_7 : memref<!tpu.dma_semaphore, #tpu.memory_space<semaphore_mem>>)
      %dma_wait3A_12 = tpu.memref_slice %arg3[%run_scoped3A, %mul3A_2] : memref<2x160000xi32, #tpu.memory_space<hbm>> -> memref<1x5000xi32, #tpu.memory_space<hbm>>
      %dma_wait3A_13 = tpu.memref_squeeze %dma_wait3A_12 : memref<1x5000xi32, #tpu.memory_space<hbm>> -> memref<5000xi32, #tpu.memory_space<hbm>>
      %dma_wait3A_14 = tpu.memref_slice %arg3[%run_scoped3A, %mul3A_2] : memref<2x160000xi32, #tpu.memory_space<hbm>> -> memref<1x5000xi32, #tpu.memory_space<hbm>>
      %dma_wait3A_15 = tpu.memref_squeeze %dma_wait3A_14 : memref<1x5000xi32, #tpu.memory_space<hbm>> -> memref<5000xi32, #tpu.memory_space<hbm>>
      tpu.wait_dma2 semaphore(%run_scoped3A_7 : memref<!tpu.dma_semaphore, #tpu.memory_space<semaphore_mem>>) src(%dma_wait3A_15 : memref<5000xi32, #tpu.memory_space<hbm>>) dst(%arg5 : memref<5000xi32, #tpu.memory_space<vmem>>)
      tpu.yield
    }) : () -> ()
    %dma_start3A = arith.constant 0 : i32
    %dma_start3A_3 = arith.constant 0 : i32
    %dma_start3A_4 = tpu.memref_slice %arg2[%dma_start3A, %dma_start3A_3] : memref<10000x16xf32, #tpu.memory_space<hbm>> -> memref<10000x16xf32, #tpu.memory_space<hbm>>
    tpu.enqueue_indirect_dma source(%dma_start3A_4 : memref<10000x16xf32, #tpu.memory_space<hbm>>) target(%arg6 : memref<5000x16xf32, #tpu.memory_space<vmem>>) offsets(%arg5 : memref<5000xi32, #tpu.memory_space<vmem>>) semaphore(%arg7 : memref<!tpu.dma_semaphore, #tpu.memory_space<semaphore_mem>>)
    %dma_wait3A = arith.constant 0 : i32
    %dma_wait3A_5 = arith.constant 0 : i32
    %dma_wait3A_6 = tpu.memref_slice %arg2[%dma_wait3A, %dma_wait3A_5] : memref<10000x16xf32, #tpu.memory_space<hbm>> -> memref<10000x16xf32, #tpu.memory_space<hbm>>
    tpu.wait_indirect_dma semaphore(%arg7 : memref<!tpu.dma_semaphore, #tpu.memory_space<semaphore_mem>>) src(%dma_wait3A_6 : memref<10000x16xf32, #tpu.memory_space<hbm>>) dst(%arg6 : memref<5000x16xf32, #tpu.memory_space<vmem>>)
    "tpu.region"() ({
      %run_scoped3A_7 = tpu.sem_alloc : memref<!tpu.dma_semaphore, #tpu.memory_space<semaphore_mem>>
      %dma_start3A_8 = arith.constant 0 : i32
      %dma_start3A_9 = tpu.memref_slice %arg4[%mul3A_2, %dma_start3A_8] : memref<160000x16xf32, #tpu.memory_space<hbm>> -> memref<5000x16xf32, #tpu.memory_space<hbm>>
      %dma_start3A_10 = arith.constant 0 : i32
      %dma_start3A_11 = tpu.memref_slice %arg4[%mul3A_2, %dma_start3A_10] : memref<160000x16xf32, #tpu.memory_space<hbm>> -> memref<5000x16xf32, #tpu.memory_space<hbm>>
      tpu.enqueue_dma source(%arg6 : memref<5000x16xf32, #tpu.memory_space<vmem>>) target(%dma_start3A_11 : memref<5000x16xf32, #tpu.memory_space<hbm>>) target_semaphore(%run_scoped3A_7 : memref<!tpu.dma_semaphore, #tpu.memory_space<semaphore_mem>>)
      %dma_wait3A_12 = arith.constant 0 : i32
      %dma_wait3A_13 = tpu.memref_slice %arg4[%mul3A_2, %dma_wait3A_12] : memref<160000x16xf32, #tpu.memory_space<hbm>> -> memref<5000x16xf32, #tpu.memory_space<hbm>>
      %dma_wait3A_14 = arith.constant 0 : i32
      %dma_wait3A_15 = tpu.memref_slice %arg4[%mul3A_2, %dma_wait3A_14] : memref<160000x16xf32, #tpu.memory_space<hbm>> -> memref<5000x16xf32, #tpu.memory_space<hbm>>
      tpu.wait_dma2 semaphore(%run_scoped3A_7 : memref<!tpu.dma_semaphore, #tpu.memory_space<semaphore_mem>>) src(%arg6 : memref<5000x16xf32, #tpu.memory_space<vmem>>) dst(%dma_wait3A_15 : memref<5000x16xf32, #tpu.memory_space<hbm>>)
      tpu.yield
    }) : () -> ()
    return
  }
}

#map = affine_map<(d0, d1) -> (0, 0)>
module attributes {stable_mosaic.version = 14 : i64} {
  func.func @_sc_gather(%arg0: i32, %arg1: i32, %arg2: memref<10000x16xf32, #tpu.memory_space<hbm>>, %arg3: memref<2x160000xi32, #tpu.memory_space<hbm>>, %arg4: memref<160000x16xf32, #tpu.memory_space<hbm>>, %arg5: memref<5000xi32, #tpu.memory_space<vmem>>, %arg6: memref<5000x16xf32, #tpu.memory_space<vmem>>, %arg7: memref<!tpu.dma_semaphore, #tpu.memory_space<semaphore_mem>>) attributes {dimension_semantics = [#tpu.dimension_semantics<core_parallel>, #tpu.dimension_semantics<subcore_parallel>], iteration_bounds = array<i64: 2, 16>, scalar_prefetch = 0 : i64, scratch_operands = 3 : i64, tpu.core_type = #tpu.core_type<sc_vector_subcore>, window_params = [{transform_indices = #map}, {transform_indices = #map}, {transform_indices = #map}]} {
    %mul3A = arith.constant 2 : i32
    %mul3A_0 = arith.muli %arg1, %mul3A : i32
    %add3A = arith.addi %mul3A_0, %arg0 : i32
    %mul3A_1 = arith.constant 5000 : i32
    %mul3A_2 = arith.muli %add3A, %mul3A_1 : i32
    %run_scoped3A = arith.constant 0 : i32
    "tpu.region"() ({
      %run_scoped3A_7 = tpu.sem_alloc : memref<!tpu.dma_semaphore, #tpu.memory_space<semaphore_mem>>
      %dma_start3A_8 = tpu.memref_slice %arg3[%run_scoped3A, %mul3A_2] : memref<2x160000xi32, #tpu.memory_space<hbm>> -> memref<1x5000xi32, #tpu.memory_space<hbm>>
      %dma_start3A_9 = tpu.memref_squeeze %dma_start3A_8 : memref<1x5000xi32, #tpu.memory_space<hbm>> -> memref<5000xi32, #tpu.memory_space<hbm>>
      %dma_start3A_10 = tpu.memref_slice %arg3[%run_scoped3A, %mul3A_2] : memref<2x160000xi32, #tpu.memory_space<hbm>> -> memref<1x5000xi32, #tpu.memory_space<hbm>>
      %dma_start3A_11 = tpu.memref_squeeze %dma_start3A_10 : memref<1x5000xi32, #tpu.memory_space<hbm>> -> memref<5000xi32, #tpu.memory_space<hbm>>
      tpu.enqueue_dma source(%dma_start3A_11 : memref<5000xi32, #tpu.memory_space<hbm>>) target(%arg5 : memref<5000xi32, #tpu.memory_space<vmem>>) target_semaphore(%run_scoped3A_7 : memref<!tpu.dma_semaphore, #tpu.memory_space<semaphore_mem>>)
      %dma_wait3A_12 = tpu.memref_slice %arg3[%run_scoped3A, %mul3A_2] : memref<2x160000xi32, #tpu.memory_space<hbm>> -> memref<1x5000xi32, #tpu.memory_space<hbm>>
      %dma_wait3A_13 = tpu.memref_squeeze %dma_wait3A_12 : memref<1x5000xi32, #tpu.memory_space<hbm>> -> memref<5000xi32, #tpu.memory_space<hbm>>
      %dma_wait3A_14 = tpu.memref_slice %arg3[%run_scoped3A, %mul3A_2] : memref<2x160000xi32, #tpu.memory_space<hbm>> -> memref<1x5000xi32, #tpu.memory_space<hbm>>
      %dma_wait3A_15 = tpu.memref_squeeze %dma_wait3A_14 : memref<1x5000xi32, #tpu.memory_space<hbm>> -> memref<5000xi32, #tpu.memory_space<hbm>>
      tpu.wait_dma2 semaphore(%run_scoped3A_7 : memref<!tpu.dma_semaphore, #tpu.memory_space<semaphore_mem>>) src(%dma_wait3A_15 : memref<5000xi32, #tpu.memory_space<hbm>>) dst(%arg5 : memref<5000xi32, #tpu.memory_space<vmem>>)
      tpu.yield
    }) : () -> ()
    %dma_start3A = arith.constant 0 : i32
    %dma_start3A_3 = arith.constant 0 : i32
    %dma_start3A_4 = tpu.memref_slice %arg2[%dma_start3A, %dma_start3A_3] : memref<10000x16xf32, #tpu.memory_space<hbm>> -> memref<10000x16xf32, #tpu.memory_space<hbm>>
    tpu.enqueue_indirect_dma source(%dma_start3A_4 : memref<10000x16xf32, #tpu.memory_space<hbm>>) target(%arg6 : memref<5000x16xf32, #tpu.memory_space<vmem>>) offsets(%arg5 : memref<5000xi32, #tpu.memory_space<vmem>>) semaphore(%arg7 : memref<!tpu.dma_semaphore, #tpu.memory_space<semaphore_mem>>)
    %dma_wait3A = arith.constant 0 : i32
    %dma_wait3A_5 = arith.constant 0 : i32
    %dma_wait3A_6 = tpu.memref_slice %arg2[%dma_wait3A, %dma_wait3A_5] : memref<10000x16xf32, #tpu.memory_space<hbm>> -> memref<10000x16xf32, #tpu.memory_space<hbm>>
    tpu.wait_indirect_dma semaphore(%arg7 : memref<!tpu.dma_semaphore, #tpu.memory_space<semaphore_mem>>) src(%dma_wait3A_6 : memref<10000x16xf32, #tpu.memory_space<hbm>>) dst(%arg6 : memref<5000x16xf32, #tpu.memory_space<vmem>>)
    "tpu.region"() ({
      %run_scoped3A_7 = tpu.sem_alloc : memref<!tpu.dma_semaphore, #tpu.memory_space<semaphore_mem>>
      %dma_start3A_8 = arith.constant 0 : i32
      %dma_start3A_9 = tpu.memref_slice %arg4[%mul3A_2, %dma_start3A_8] : memref<160000x16xf32, #tpu.memory_space<hbm>> -> memref<5000x16xf32, #tpu.memory_space<hbm>>
      %dma_start3A_10 = arith.constant 0 : i32
      %dma_start3A_11 = tpu.memref_slice %arg4[%mul3A_2, %dma_start3A_10] : memref<160000x16xf32, #tpu.memory_space<hbm>> -> memref<5000x16xf32, #tpu.memory_space<hbm>>
      tpu.enqueue_dma source(%arg6 : memref<5000x16xf32, #tpu.memory_space<vmem>>) target(%dma_start3A_11 : memref<5000x16xf32, #tpu.memory_space<hbm>>) target_semaphore(%run_scoped3A_7 : memref<!tpu.dma_semaphore, #tpu.memory_space<semaphore_mem>>)
      %dma_wait3A_12 = arith.constant 0 : i32
      %dma_wait3A_13 = tpu.memref_slice %arg4[%mul3A_2, %dma_wait3A_12] : memref<160000x16xf32, #tpu.memory_space<hbm>> -> memref<5000x16xf32, #tpu.memory_space<hbm>>
      %dma_wait3A_14 = arith.constant 0 : i32
      %dma_wait3A_15 = tpu.memref_slice %arg4[%mul3A_2, %dma_wait3A_14] : memref<160000x16xf32, #tpu.memory_space<hbm>> -> memref<5000x16xf32, #tpu.memory_space<hbm>>
      tpu.wait_dma2 semaphore(%run_scoped3A_7 : memref<!tpu.dma_semaphore, #tpu.memory_space<semaphore_mem>>) src(%arg6 : memref<5000x16xf32, #tpu.memory_space<vmem>>) dst(%dma_wait3A_15 : memref<5000x16xf32, #tpu.memory_space<hbm>>)
      tpu.yield
    }) : () -> ()
    return
  }
}

#map = affine_map<(d0, d1) -> (0, 0)>
#map1 = affine_map<(d0, d1) -> (0)>
module attributes {stable_mosaic.version = 14 : i64} {
  func.func @_sc_count(%arg0: i32, %arg1: i32, %arg2: memref<2x160000xi32, #tpu.memory_space<hbm>>, %arg3: memref<10000xf32, #tpu.memory_space<hbm>>, %arg4: memref<5000xf32, #tpu.memory_space<hbm>>, %arg5: memref<2x10000xf32, #tpu.memory_space<hbm>>, %arg6: memref<5000xi32, #tpu.memory_space<vmem>>, %arg7: memref<5000xf32, #tpu.memory_space<vmem>>, %arg8: memref<10000xf32, #tpu.memory_space<vmem_shared>>) attributes {dimension_semantics = [#tpu.dimension_semantics<core_parallel>, #tpu.dimension_semantics<subcore_parallel>], iteration_bounds = array<i64: 2, 16>, scalar_prefetch = 0 : i64, scratch_operands = 3 : i64, tpu.core_type = #tpu.core_type<sc_vector_subcore>, window_params = [{transform_indices = #map}, {transform_indices = #map1}, {transform_indices = #map1}, {transform_indices = #map}]} {
    %mul3A = arith.constant 2 : i32
    %mul3A_0 = arith.muli %arg1, %mul3A : i32
    %add3A = arith.addi %mul3A_0, %arg0 : i32
    %mul3A_1 = arith.constant 5000 : i32
    %mul3A_2 = arith.muli %add3A, %mul3A_1 : i32
    %eq3A = arith.constant 0 : i32
    %eq3A_3 = arith.cmpi eq, %arg1, %eq3A : i32
    %convert_element_type3A = arith.extui %eq3A_3 : i1 to i32
    %cond3A = arith.constant 0 : i32
    %cond3A_4 = arith.cmpi ne, %convert_element_type3A, %cond3A : i32
    scf.if %cond3A_4 {
      "tpu.region"() ({
        %run_scoped3A_11 = tpu.sem_alloc : memref<!tpu.dma_semaphore, #tpu.memory_space<semaphore_mem>>
        tpu.enqueue_dma source(%arg3 : memref<10000xf32, #tpu.memory_space<hbm>>) target(%arg8 : memref<10000xf32, #tpu.memory_space<vmem_shared>>) target_semaphore(%run_scoped3A_11 : memref<!tpu.dma_semaphore, #tpu.memory_space<semaphore_mem>>)
        tpu.wait_dma2 semaphore(%run_scoped3A_11 : memref<!tpu.dma_semaphore, #tpu.memory_space<semaphore_mem>>) src(%arg3 : memref<10000xf32, #tpu.memory_space<hbm>>) dst(%arg8 : memref<10000xf32, #tpu.memory_space<vmem_shared>>)
        tpu.yield
      }) : () -> ()
    } else {
    }
    %barrier3A = arith.constant 0 : index
    tpu.barrier barrier_id(%barrier3A)
    %run_scoped3A = arith.constant 1 : i32
    "tpu.region"() ({
      %run_scoped3A_11 = tpu.sem_alloc : memref<!tpu.dma_semaphore, #tpu.memory_space<semaphore_mem>>
      %dma_start3A = tpu.memref_slice %arg2[%run_scoped3A, %mul3A_2] : memref<2x160000xi32, #tpu.memory_space<hbm>> -> memref<1x5000xi32, #tpu.memory_space<hbm>>
      %dma_start3A_12 = tpu.memref_squeeze %dma_start3A : memref<1x5000xi32, #tpu.memory_space<hbm>> -> memref<5000xi32, #tpu.memory_space<hbm>>
      %dma_start3A_13 = tpu.memref_slice %arg2[%run_scoped3A, %mul3A_2] : memref<2x160000xi32, #tpu.memory_space<hbm>> -> memref<1x5000xi32, #tpu.memory_space<hbm>>
      %dma_start3A_14 = tpu.memref_squeeze %dma_start3A_13 : memref<1x5000xi32, #tpu.memory_space<hbm>> -> memref<5000xi32, #tpu.memory_space<hbm>>
      tpu.enqueue_dma source(%dma_start3A_14 : memref<5000xi32, #tpu.memory_space<hbm>>) target(%arg6 : memref<5000xi32, #tpu.memory_space<vmem>>) target_semaphore(%run_scoped3A_11 : memref<!tpu.dma_semaphore, #tpu.memory_space<semaphore_mem>>)
      %dma_wait3A = tpu.memref_slice %arg2[%run_scoped3A, %mul3A_2] : memref<2x160000xi32, #tpu.memory_space<hbm>> -> memref<1x5000xi32, #tpu.memory_space<hbm>>
      %dma_wait3A_15 = tpu.memref_squeeze %dma_wait3A : memref<1x5000xi32, #tpu.memory_space<hbm>> -> memref<5000xi32, #tpu.memory_space<hbm>>
      %dma_wait3A_16 = tpu.memref_slice %arg2[%run_scoped3A, %mul3A_2] : memref<2x160000xi32, #tpu.memory_space<hbm>> -> memref<1x5000xi32, #tpu.memory_space<hbm>>
      %dma_wait3A_17 = tpu.memref_squeeze %dma_wait3A_16 : memref<1x5000xi32, #tpu.memory_space<hbm>> -> memref<5000xi32, #tpu.memory_space<hbm>>
      tpu.wait_dma2 semaphore(%run_scoped3A_11 : memref<!tpu.dma_semaphore, #tpu.memory_space<semaphore_mem>>) src(%dma_wait3A_17 : memref<5000xi32, #tpu.memory_space<hbm>>) dst(%arg6 : memref<5000xi32, #tpu.memory_space<vmem>>)
      tpu.yield
    }) : () -> ()
    "tpu.region"() ({
      %run_scoped3A_11 = tpu.sem_alloc : memref<!tpu.dma_semaphore, #tpu.memory_space<semaphore_mem>>
      tpu.enqueue_dma source(%arg4 : memref<5000xf32, #tpu.memory_space<hbm>>) target(%arg7 : memref<5000xf32, #tpu.memory_space<vmem>>) target_semaphore(%run_scoped3A_11 : memref<!tpu.dma_semaphore, #tpu.memory_space<semaphore_mem>>)
      tpu.wait_dma2 semaphore(%run_scoped3A_11 : memref<!tpu.dma_semaphore, #tpu.memory_space<semaphore_mem>>) src(%arg4 : memref<5000xf32, #tpu.memory_space<hbm>>) dst(%arg7 : memref<5000xf32, #tpu.memory_space<vmem>>)
      tpu.yield
    }) : () -> ()
    "tpu.region"() ({
      %run_scoped3A_11 = tpu.sem_alloc : memref<!tpu.dma_semaphore, #tpu.memory_space<semaphore_mem>>
      %dma_start3A = arith.constant 0 : i32
      %dma_start3A_12 = tpu.memref_slice %arg8[%dma_start3A] : memref<10000xf32, #tpu.memory_space<vmem_shared>> -> memref<10000xf32, #tpu.memory_space<vmem_shared>>
      tpu.enqueue_indirect_dma source(%arg7 : memref<5000xf32, #tpu.memory_space<vmem>>) target(%dma_start3A_12 : memref<10000xf32, #tpu.memory_space<vmem_shared>>) offsets(%arg6 : memref<5000xi32, #tpu.memory_space<vmem>>) semaphore(%run_scoped3A_11 : memref<!tpu.dma_semaphore, #tpu.memory_space<semaphore_mem>>) {add = true}
      %dma_wait3A = arith.constant 0 : i32
      %dma_wait3A_13 = tpu.memref_slice %arg8[%dma_wait3A] : memref<10000xf32, #tpu.memory_space<vmem_shared>> -> memref<10000xf32, #tpu.memory_space<vmem_shared>>
      tpu.wait_indirect_dma semaphore(%run_scoped3A_11 : memref<!tpu.dma_semaphore, #tpu.memory_space<semaphore_mem>>) src(%arg7 : memref<5000xf32, #tpu.memory_space<vmem>>) dst(%dma_wait3A_13 : memref<10000xf32, #tpu.memory_space<vmem_shared>>)
      tpu.yield
    }) : () -> ()
    %barrier3A_5 = arith.constant 0 : index
    tpu.barrier barrier_id(%barrier3A_5)
    %eq3A_6 = arith.constant 0 : i32
    %eq3A_7 = arith.cmpi eq, %arg1, %eq3A_6 : i32
    %convert_element_type3A_8 = arith.extui %eq3A_7 : i1 to i32
    %cond3A_9 = arith.constant 0 : i32
    %cond3A_10 = arith.cmpi ne, %convert_element_type3A_8, %cond3A_9 : i32
    scf.if %cond3A_10 {
      "tpu.region"() ({
        %run_scoped3A_11 = tpu.sem_alloc : memref<!tpu.dma_semaphore, #tpu.memory_space<semaphore_mem>>
        %dma_start3A = arith.constant 0 : i32
        %dma_start3A_12 = tpu.memref_slice %arg5[%arg0, %dma_start3A] : memref<2x10000xf32, #tpu.memory_space<hbm>> -> memref<1x10000xf32, #tpu.memory_space<hbm>>
        %dma_start3A_13 = tpu.memref_squeeze %dma_start3A_12 : memref<1x10000xf32, #tpu.memory_space<hbm>> -> memref<10000xf32, #tpu.memory_space<hbm>>
        tpu.enqueue_dma source(%arg8 : memref<10000xf32, #tpu.memory_space<vmem_shared>>) target(%dma_start3A_13 : memref<10000xf32, #tpu.memory_space<hbm>>) target_semaphore(%run_scoped3A_11 : memref<!tpu.dma_semaphore, #tpu.memory_space<semaphore_mem>>)
        %dma_wait3A = arith.constant 0 : i32
        %dma_wait3A_14 = tpu.memref_slice %arg5[%arg0, %dma_wait3A] : memref<2x10000xf32, #tpu.memory_space<hbm>> -> memref<1x10000xf32, #tpu.memory_space<hbm>>
        %dma_wait3A_15 = tpu.memref_squeeze %dma_wait3A_14 : memref<1x10000xf32, #tpu.memory_space<hbm>> -> memref<10000xf32, #tpu.memory_space<hbm>>
        tpu.wait_dma2 semaphore(%run_scoped3A_11 : memref<!tpu.dma_semaphore, #tpu.memory_space<semaphore_mem>>) src(%arg8 : memref<10000xf32, #tpu.memory_space<vmem_shared>>) dst(%dma_wait3A_15 : memref<10000xf32, #tpu.memory_space<hbm>>)
        tpu.yield
      }) : () -> ()
    } else {
    }
    return
  }
}

#map = affine_map<(d0, d1) -> (0, 0)>
#map1 = affine_map<(d0, d1) -> (0, 0, 0)>
module attributes {stable_mosaic.version = 14 : i64} {
  func.func @_sc_scatter(%arg0: i32, %arg1: i32, %arg2: memref<160000x16xf32, #tpu.memory_space<hbm>>, %arg3: memref<2x160000xi32, #tpu.memory_space<hbm>>, %arg4: memref<10000x16xf32, #tpu.memory_space<hbm>>, %arg5: memref<2x10000x16xf32, #tpu.memory_space<hbm>>, %arg6: memref<5000xi32, #tpu.memory_space<vmem>>, %arg7: memref<5000x16xf32, #tpu.memory_space<vmem>>, %arg8: memref<10000x16xf32, #tpu.memory_space<vmem_shared>>) attributes {dimension_semantics = [#tpu.dimension_semantics<core_parallel>, #tpu.dimension_semantics<subcore_parallel>], iteration_bounds = array<i64: 2, 16>, scalar_prefetch = 0 : i64, scratch_operands = 3 : i64, tpu.core_type = #tpu.core_type<sc_vector_subcore>, window_params = [{transform_indices = #map}, {transform_indices = #map}, {transform_indices = #map}, {transform_indices = #map1}]} {
    %mul3A = arith.constant 2 : i32
    %mul3A_0 = arith.muli %arg1, %mul3A : i32
    %add3A = arith.addi %mul3A_0, %arg0 : i32
    %mul3A_1 = arith.constant 5000 : i32
    %mul3A_2 = arith.muli %add3A, %mul3A_1 : i32
    %eq3A = arith.constant 0 : i32
    %eq3A_3 = arith.cmpi eq, %arg1, %eq3A : i32
    %convert_element_type3A = arith.extui %eq3A_3 : i1 to i32
    %cond3A = arith.constant 0 : i32
    %cond3A_4 = arith.cmpi ne, %convert_element_type3A, %cond3A : i32
    scf.if %cond3A_4 {
      "tpu.region"() ({
        %run_scoped3A_8 = tpu.sem_alloc : memref<!tpu.dma_semaphore, #tpu.memory_space<semaphore_mem>>
        tpu.enqueue_dma source(%arg4 : memref<10000x16xf32, #tpu.memory_space<hbm>>) target(%arg8 : memref<10000x16xf32, #tpu.memory_space<vmem_shared>>) target_semaphore(%run_scoped3A_8 : memref<!tpu.dma_semaphore, #tpu.memory_space<semaphore_mem>>)
        tpu.wait_dma2 semaphore(%run_scoped3A_8 : memref<!tpu.dma_semaphore, #tpu.memory_space<semaphore_mem>>) src(%arg4 : memref<10000x16xf32, #tpu.memory_space<hbm>>) dst(%arg8 : memref<10000x16xf32, #tpu.memory_space<vmem_shared>>)
        tpu.yield
      }) : () -> ()
    } else {
    }
    %barrier3A = arith.constant 0 : index
    tpu.barrier barrier_id(%barrier3A)
    %run_scoped3A = arith.constant 1 : i32
    "tpu.region"() ({
      %run_scoped3A_8 = tpu.sem_alloc : memref<!tpu.dma_semaphore, #tpu.memory_space<semaphore_mem>>
      %dma_start3A = tpu.memref_slice %arg3[%run_scoped3A, %mul3A_2] : memref<2x160000xi32, #tpu.memory_space<hbm>> -> memref<1x5000xi32, #tpu.memory_space<hbm>>
      %dma_start3A_9 = tpu.memref_squeeze %dma_start3A : memref<1x5000xi32, #tpu.memory_space<hbm>> -> memref<5000xi32, #tpu.memory_space<hbm>>
      %dma_start3A_10 = tpu.memref_slice %arg3[%run_scoped3A, %mul3A_2] : memref<2x160000xi32, #tpu.memory_space<hbm>> -> memref<1x5000xi32, #tpu.memory_space<hbm>>
      %dma_start3A_11 = tpu.memref_squeeze %dma_start3A_10 : memref<1x5000xi32, #tpu.memory_space<hbm>> -> memref<5000xi32, #tpu.memory_space<hbm>>
      tpu.enqueue_dma source(%dma_start3A_11 : memref<5000xi32, #tpu.memory_space<hbm>>) target(%arg6 : memref<5000xi32, #tpu.memory_space<vmem>>) target_semaphore(%run_scoped3A_8 : memref<!tpu.dma_semaphore, #tpu.memory_space<semaphore_mem>>)
      %dma_wait3A = tpu.memref_slice %arg3[%run_scoped3A, %mul3A_2] : memref<2x160000xi32, #tpu.memory_space<hbm>> -> memref<1x5000xi32, #tpu.memory_space<hbm>>
      %dma_wait3A_12 = tpu.memref_squeeze %dma_wait3A : memref<1x5000xi32, #tpu.memory_space<hbm>> -> memref<5000xi32, #tpu.memory_space<hbm>>
      %dma_wait3A_13 = tpu.memref_slice %arg3[%run_scoped3A, %mul3A_2] : memref<2x160000xi32, #tpu.memory_space<hbm>> -> memref<1x5000xi32, #tpu.memory_space<hbm>>
      %dma_wait3A_14 = tpu.memref_squeeze %dma_wait3A_13 : memref<1x5000xi32, #tpu.memory_space<hbm>> -> memref<5000xi32, #tpu.memory_space<hbm>>
      tpu.wait_dma2 semaphore(%run_scoped3A_8 : memref<!tpu.dma_semaphore, #tpu.memory_space<semaphore_mem>>) src(%dma_wait3A_14 : memref<5000xi32, #tpu.memory_space<hbm>>) dst(%arg6 : memref<5000xi32, #tpu.memory_space<vmem>>)
      tpu.yield
    }) : () -> ()
    "tpu.region"() ({
      %run_scoped3A_8 = tpu.sem_alloc : memref<!tpu.dma_semaphore, #tpu.memory_space<semaphore_mem>>
      %dma_start3A = arith.constant 0 : i32
      %dma_start3A_9 = tpu.memref_slice %arg2[%mul3A_2, %dma_start3A] : memref<160000x16xf32, #tpu.memory_space<hbm>> -> memref<5000x16xf32, #tpu.memory_space<hbm>>
      %dma_start3A_10 = arith.constant 0 : i32
      %dma_start3A_11 = tpu.memref_slice %arg2[%mul3A_2, %dma_start3A_10] : memref<160000x16xf32, #tpu.memory_space<hbm>> -> memref<5000x16xf32, #tpu.memory_space<hbm>>
      tpu.enqueue_dma source(%dma_start3A_11 : memref<5000x16xf32, #tpu.memory_space<hbm>>) target(%arg7 : memref<5000x16xf32, #tpu.memory_space<vmem>>) target_semaphore(%run_scoped3A_8 : memref<!tpu.dma_semaphore, #tpu.memory_space<semaphore_mem>>)
      %dma_wait3A = arith.constant 0 : i32
      %dma_wait3A_12 = tpu.memref_slice %arg2[%mul3A_2, %dma_wait3A] : memref<160000x16xf32, #tpu.memory_space<hbm>> -> memref<5000x16xf32, #tpu.memory_space<hbm>>
      %dma_wait3A_13 = arith.constant 0 : i32
      %dma_wait3A_14 = tpu.memref_slice %arg2[%mul3A_2, %dma_wait3A_13] : memref<160000x16xf32, #tpu.memory_space<hbm>> -> memref<5000x16xf32, #tpu.memory_space<hbm>>
      tpu.wait_dma2 semaphore(%run_scoped3A_8 : memref<!tpu.dma_semaphore, #tpu.memory_space<semaphore_mem>>) src(%dma_wait3A_14 : memref<5000x16xf32, #tpu.memory_space<hbm>>) dst(%arg7 : memref<5000x16xf32, #tpu.memory_space<vmem>>)
      tpu.yield
    }) : () -> ()
    "tpu.region"() ({
      %run_scoped3A_8 = tpu.sem_alloc : memref<!tpu.dma_semaphore, #tpu.memory_space<semaphore_mem>>
      %dma_start3A = arith.constant 0 : i32
      %dma_start3A_9 = arith.constant 0 : i32
      %dma_start3A_10 = tpu.memref_slice %arg8[%dma_start3A, %dma_start3A_9] : memref<10000x16xf32, #tpu.memory_space<vmem_shared>> -> memref<10000x16xf32, #tpu.memory_space<vmem_shared>>
      tpu.enqueue_indirect_dma source(%arg7 : memref<5000x16xf32, #tpu.memory_space<vmem>>) target(%dma_start3A_10 : memref<10000x16xf32, #tpu.memory_space<vmem_shared>>) offsets(%arg6 : memref<5000xi32, #tpu.memory_space<vmem>>) semaphore(%run_scoped3A_8 : memref<!tpu.dma_semaphore, #tpu.memory_space<semaphore_mem>>) {add = true}
      %dma_wait3A = arith.constant 0 : i32
      %dma_wait3A_11 = arith.constant 0 : i32
      %dma_wait3A_12 = tpu.memref_slice %arg8[%dma_wait3A, %dma_wait3A_11] : memref<10000x16xf32, #tpu.memory_space<vmem_shared>> -> memref<10000x16xf32, #tpu.memory_space<vmem_shared>>
      tpu.wait_indirect_dma semaphore(%run_scoped3A_8 : memref<!tpu.dma_semaphore, #tpu.memory_space<semaphore_mem>>) src(%arg7 : memref<5000x16xf32, #tpu.memory_space<vmem>>) dst(%dma_wait3A_12 : memref<10000x16xf32, #tpu.memory_space<vmem_shared>>)
      tpu.yield
    }) : () -> ()
    %barrier3A_5 = arith.constant 0 : index
    tpu.barrier barrier_id(%barrier3A_5)
    %mul3A_6 = arith.constant 625 : i32
    %mul3A_7 = arith.muli %arg1, %mul3A_6 : i32
    "tpu.region"() ({
      %run_scoped3A_8 = tpu.sem_alloc : memref<!tpu.dma_semaphore, #tpu.memory_space<semaphore_mem>>
      %dma_start3A = arith.constant 0 : i32
      %dma_start3A_9 = tpu.memref_slice %arg5[%arg0, %mul3A_7, %dma_start3A] : memref<2x10000x16xf32, #tpu.memory_space<hbm>> -> memref<1x625x16xf32, #tpu.memory_space<hbm>>
      %dma_start3A_10 = tpu.memref_squeeze %dma_start3A_9 : memref<1x625x16xf32, #tpu.memory_space<hbm>> -> memref<625x16xf32, #tpu.memory_space<hbm>>
      %dma_start3A_11 = arith.constant 0 : i32
      %dma_start3A_12 = tpu.memref_slice %arg8[%mul3A_7, %dma_start3A_11] : memref<10000x16xf32, #tpu.memory_space<vmem_shared>> -> memref<625x16xf32, #tpu.memory_space<vmem_shared>>
      tpu.enqueue_dma source(%dma_start3A_12 : memref<625x16xf32, #tpu.memory_space<vmem_shared>>) target(%dma_start3A_10 : memref<625x16xf32, #tpu.memory_space<hbm>>) target_semaphore(%run_scoped3A_8 : memref<!tpu.dma_semaphore, #tpu.memory_space<semaphore_mem>>)
      %dma_wait3A = arith.constant 0 : i32
      %dma_wait3A_13 = tpu.memref_slice %arg5[%arg0, %mul3A_7, %dma_wait3A] : memref<2x10000x16xf32, #tpu.memory_space<hbm>> -> memref<1x625x16xf32, #tpu.memory_space<hbm>>
      %dma_wait3A_14 = tpu.memref_squeeze %dma_wait3A_13 : memref<1x625x16xf32, #tpu.memory_space<hbm>> -> memref<625x16xf32, #tpu.memory_space<hbm>>
      %dma_wait3A_15 = arith.constant 0 : i32
      %dma_wait3A_16 = tpu.memref_slice %arg8[%mul3A_7, %dma_wait3A_15] : memref<10000x16xf32, #tpu.memory_space<vmem_shared>> -> memref<625x16xf32, #tpu.memory_space<vmem_shared>>
      tpu.wait_dma2 semaphore(%run_scoped3A_8 : memref<!tpu.dma_semaphore, #tpu.memory_space<semaphore_mem>>) src(%dma_wait3A_16 : memref<625x16xf32, #tpu.memory_space<vmem_shared>>) dst(%dma_wait3A_14 : memref<625x16xf32, #tpu.memory_space<hbm>>)
      tpu.yield
    }) : () -> ()
    return
  }
}

module attributes {stable_mosaic.version = 14 : i64} {
  func.func @_tc_in_body(%arg0: memref<10000x8xf32, #tpu.memory_space<vmem>>, %arg1: memref<8x16xf32, #tpu.memory_space<vmem>>, %arg2: memref<1x16xf32, #tpu.memory_space<vmem>>, %arg3: memref<10000x16xf32, #tpu.memory_space<vmem>>) attributes {dimension_semantics = [], scalar_prefetch = 0 : i64, scratch_operands = 0 : i64, tpu.core_type = #tpu.core_type<tc>} {
    %get3A = arith.constant 0 : index
    %get3A_0 = arith.constant 0 : index
    %get3A_1 = vector.load %arg0[%get3A, %get3A_0] : memref<10000x8xf32, #tpu.memory_space<vmem>>, vector<10000x8xf32>
    %get3A_2 = arith.constant 0 : index
    %get3A_3 = arith.constant 0 : index
    %get3A_4 = vector.load %arg1[%get3A_2, %get3A_3] : memref<8x16xf32, #tpu.memory_space<vmem>>, vector<8x16xf32>
    %dot_general3A = arith.constant dense<0.000000e+00> : vector<10000x16xf32>
    %dot_general3A_5 = tpu.matmul %get3A_1, %get3A_4, %dot_general3A {dimension_numbers = #tpu.dot_dimension_numbers<[1], [0], [0], [1], [0, 0, 1, 1], [], []>, transpose_lhs_hint = false} : vector<10000x8xf32>, vector<8x16xf32>, vector<10000x16xf32> -> vector<10000x16xf32>
    %get3A_6 = arith.constant 0 : index
    %get3A_7 = arith.constant 0 : index
    %get3A_8 = vector.load %arg2[%get3A_6, %get3A_7] : memref<1x16xf32, #tpu.memory_space<vmem>>, vector<1x16xf32>
    %add3A = vector.broadcast %get3A_8 : vector<1x16xf32> to vector<10000x16xf32>
    %add3A_9 = arith.addf %dot_general3A_5, %add3A : vector<10000x16xf32>
    %swap3A = arith.constant 0 : index
    %swap3A_10 = arith.constant 0 : index
    %swap3A_11 = vector.load %arg3[%swap3A, %swap3A_10] : memref<10000x16xf32, #tpu.memory_space<vmem>>, vector<10000x16xf32>
    tpu.vector_store %arg3[%swap3A, %swap3A_10], %add3A_9 {strides = array<i32>} : memref<10000x16xf32, #tpu.memory_space<vmem>>, vector<10000x16xf32>,
    return
  }
}

module attributes {stable_mosaic.version = 14 : i64} {
  func.func @_tc_edge_body(%arg0: i32, %arg1: memref<4x3200xf32, #tpu.memory_space<vmem>>, %arg2: memref<400x128xf32, #tpu.memory_space<vmem>>, %arg3: memref<4x32xf32, #tpu.memory_space<vmem>>, %arg4: memref<1x32xf32, #tpu.memory_space<vmem>>, %arg5: memref<32x256xf32, #tpu.memory_space<vmem>>, %arg6: memref<1x256xf32, #tpu.memory_space<vmem>>, %arg7: memref<16x256xf32, #tpu.memory_space<vmem>>, %arg8: memref<256x16xf32, #tpu.memory_space<vmem>>, %arg9: memref<400x128xf32, #tpu.memory_space<vmem>>) attributes {dimension_semantics = [#tpu.dimension_semantics<arbitrary>], iteration_bounds = array<i64: 50>, scalar_prefetch = 0 : i64, scratch_operands = 0 : i64, tpu.core_type = #tpu.core_type<tc>, window_params = [{transform_indices = @transform_0, window_bounds = array<i64: 4, 3200>}, {transform_indices = @transform_1, window_bounds = array<i64: 400, 128>}, {pipeline_mode = #tpu.pipeline_mode<synchronous>, transform_indices = @transform_2, window_bounds = array<i64: 4, 32>}, {pipeline_mode = #tpu.pipeline_mode<synchronous>, transform_indices = @transform_3, window_bounds = array<i64: 1, 32>}, {pipeline_mode = #tpu.pipeline_mode<synchronous>, transform_indices = @transform_4, window_bounds = array<i64: 32, 256>}, {pipeline_mode = #tpu.pipeline_mode<synchronous>, transform_indices = @transform_5, window_bounds = array<i64: 1, 256>}, {pipeline_mode = #tpu.pipeline_mode<synchronous>, transform_indices = @transform_6, window_bounds = array<i64: 16, 256>}, {pipeline_mode = #tpu.pipeline_mode<synchronous>, transform_indices = @transform_7, window_bounds = array<i64: 256, 16>}, {transform_indices = @transform_8, window_bounds = array<i64: 400, 128>}]} {
    %get3A = arith.constant 0 : index
    %get3A_0 = arith.constant 0 : index
    %get3A_1 = vector.load %arg1[%get3A, %get3A_0] : memref<4x3200xf32, #tpu.memory_space<vmem>>, vector<4x3200xf32>
    %get3A_2 = arith.constant 0 : index
    %get3A_3 = arith.constant 0 : index
    %get3A_4 = vector.load %arg3[%get3A_2, %get3A_3] : memref<4x32xf32, #tpu.memory_space<vmem>>, vector<4x32xf32>
    %dot_general3A = arith.constant dense<0.000000e+00> : vector<3200x32xf32>
    %dot_general3A_5 = tpu.matmul %get3A_1, %get3A_4, %dot_general3A {dimension_numbers = #tpu.dot_dimension_numbers<[0], [0], [1], [1], [0, 1, 1, 1], [], []>, transpose_lhs_hint = false} : vector<4x3200xf32>, vector<4x32xf32>, vector<3200x32xf32> -> vector<3200x32xf32>
    %get3A_6 = arith.constant 0 : index
    %get3A_7 = arith.constant 0 : index
    %get3A_8 = vector.load %arg4[%get3A_6, %get3A_7] : memref<1x32xf32, #tpu.memory_space<vmem>>, vector<1x32xf32>
    %add3A = vector.broadcast %get3A_8 : vector<1x32xf32> to vector<3200x32xf32>
    %add3A_9 = arith.addf %dot_general3A_5, %add3A : vector<3200x32xf32>
    %max3A = arith.constant 0.000000e+00 : f32
    %max3A_10 = vector.broadcast %max3A : f32 to vector<3200x32xf32>
    %max3A_11 = arith.maximumf %add3A_9, %max3A_10 : vector<3200x32xf32>
    %reshape3A = vector.shape_cast %max3A_11 : vector<3200x32xf32> to vector<400x8x32xf32>
    %slice3A = vector.extract_strided_slice %reshape3A {offsets = [0, 0, 0], sizes = [400, 1, 32], strides = [1, 1, 1]} : vector<400x8x32xf32> to vector<400x1x32xf32>
    %squeeze3A = vector.shape_cast %slice3A : vector<400x1x32xf32> to vector<400x32xf32>
    %slice3A_12 = vector.extract_strided_slice %reshape3A {offsets = [0, 1, 0], sizes = [400, 1, 32], strides = [1, 1, 1]} : vector<400x8x32xf32> to vector<400x1x32xf32>
    %squeeze3A_13 = vector.shape_cast %slice3A_12 : vector<400x1x32xf32> to vector<400x32xf32>
    %slice3A_14 = vector.extract_strided_slice %reshape3A {offsets = [0, 2, 0], sizes = [400, 1, 32], strides = [1, 1, 1]} : vector<400x8x32xf32> to vector<400x1x32xf32>
    %squeeze3A_15 = vector.shape_cast %slice3A_14 : vector<400x1x32xf32> to vector<400x32xf32>
    %slice3A_16 = vector.extract_strided_slice %reshape3A {offsets = [0, 3, 0], sizes = [400, 1, 32], strides = [1, 1, 1]} : vector<400x8x32xf32> to vector<400x1x32xf32>
    %squeeze3A_17 = vector.shape_cast %slice3A_16 : vector<400x1x32xf32> to vector<400x32xf32>
    %slice3A_18 = vector.extract_strided_slice %reshape3A {offsets = [0, 4, 0], sizes = [400, 1, 32], strides = [1, 1, 1]} : vector<400x8x32xf32> to vector<400x1x32xf32>
    %squeeze3A_19 = vector.shape_cast %slice3A_18 : vector<400x1x32xf32> to vector<400x32xf32>
    %slice3A_20 = vector.extract_strided_slice %reshape3A {offsets = [0, 5, 0], sizes = [400, 1, 32], strides = [1, 1, 1]} : vector<400x8x32xf32> to vector<400x1x32xf32>
    %squeeze3A_21 = vector.shape_cast %slice3A_20 : vector<400x1x32xf32> to vector<400x32xf32>
    %slice3A_22 = vector.extract_strided_slice %reshape3A {offsets = [0, 6, 0], sizes = [400, 1, 32], strides = [1, 1, 1]} : vector<400x8x32xf32> to vector<400x1x32xf32>
    %squeeze3A_23 = vector.shape_cast %slice3A_22 : vector<400x1x32xf32> to vector<400x32xf32>
    %slice3A_24 = vector.extract_strided_slice %reshape3A {offsets = [0, 7, 0], sizes = [400, 1, 32], strides = [1, 1, 1]} : vector<400x8x32xf32> to vector<400x1x32xf32>
    %squeeze3A_25 = vector.shape_cast %slice3A_24 : vector<400x1x32xf32> to vector<400x32xf32>
    %concatenate3A = tpu.concatenate %squeeze3A, %squeeze3A_13, %squeeze3A_15, %squeeze3A_17, %squeeze3A_19, %squeeze3A_21, %squeeze3A_23, %squeeze3A_25 in 0 : vector<400x32xf32>, vector<400x32xf32>, vector<400x32xf32>, vector<400x32xf32>, vector<400x32xf32>, vector<400x32xf32>, vector<400x32xf32>, vector<400x32xf32> -> vector<3200x32xf32>
    %get3A_26 = arith.constant 0 : index
    %get3A_27 = arith.constant 0 : index
    %get3A_28 = vector.load %arg2[%get3A_26, %get3A_27] : memref<400x128xf32, #tpu.memory_space<vmem>>, vector<400x128xf32>
    %slice3A_29 = vector.extract_strided_slice %get3A_28 {offsets = [0, 0], sizes = [400, 16], strides = [1, 1]} : vector<400x128xf32> to vector<400x16xf32>
    %slice3A_30 = vector.extract_strided_slice %get3A_28 {offsets = [0, 16], sizes = [400, 16], strides = [1, 1]} : vector<400x128xf32> to vector<400x16xf32>
    %slice3A_31 = vector.extract_strided_slice %get3A_28 {offsets = [0, 32], sizes = [400, 16], strides = [1, 1]} : vector<400x128xf32> to vector<400x16xf32>
    %slice3A_32 = vector.extract_strided_slice %get3A_28 {offsets = [0, 48], sizes = [400, 16], strides = [1, 1]} : vector<400x128xf32> to vector<400x16xf32>
    %slice3A_33 = vector.extract_strided_slice %get3A_28 {offsets = [0, 64], sizes = [400, 16], strides = [1, 1]} : vector<400x128xf32> to vector<400x16xf32>
    %slice3A_34 = vector.extract_strided_slice %get3A_28 {offsets = [0, 80], sizes = [400, 16], strides = [1, 1]} : vector<400x128xf32> to vector<400x16xf32>
    %slice3A_35 = vector.extract_strided_slice %get3A_28 {offsets = [0, 96], sizes = [400, 16], strides = [1, 1]} : vector<400x128xf32> to vector<400x16xf32>
    %slice3A_36 = vector.extract_strided_slice %get3A_28 {offsets = [0, 112], sizes = [400, 16], strides = [1, 1]} : vector<400x128xf32> to vector<400x16xf32>
    %concatenate3A_37 = tpu.concatenate %slice3A_29, %slice3A_30, %slice3A_31, %slice3A_32, %slice3A_33, %slice3A_34, %slice3A_35, %slice3A_36 in 0 : vector<400x16xf32>, vector<400x16xf32>, vector<400x16xf32>, vector<400x16xf32>, vector<400x16xf32>, vector<400x16xf32>, vector<400x16xf32>, vector<400x16xf32> -> vector<3200x16xf32>
    %get3A_38 = arith.constant 0 : index
    %get3A_39 = arith.constant 0 : index
    %get3A_40 = vector.load %arg5[%get3A_38, %get3A_39] : memref<32x256xf32, #tpu.memory_space<vmem>>, vector<32x256xf32>
    %dot_general3A_41 = arith.constant dense<0.000000e+00> : vector<3200x256xf32>
    %dot_general3A_42 = tpu.matmul %concatenate3A, %get3A_40, %dot_general3A_41 {dimension_numbers = #tpu.dot_dimension_numbers<[1], [0], [0], [1], [0, 0, 1, 1], [], []>, transpose_lhs_hint = false} : vector<3200x32xf32>, vector<32x256xf32>, vector<3200x256xf32> -> vector<3200x256xf32>
    %get3A_43 = arith.constant 0 : index
    %get3A_44 = arith.constant 0 : index
    %get3A_45 = vector.load %arg6[%get3A_43, %get3A_44] : memref<1x256xf32, #tpu.memory_space<vmem>>, vector<1x256xf32>
    %add3A_46 = vector.broadcast %get3A_45 : vector<1x256xf32> to vector<3200x256xf32>
    %add3A_47 = arith.addf %dot_general3A_42, %add3A_46 : vector<3200x256xf32>
    %get3A_48 = arith.constant 0 : index
    %get3A_49 = arith.constant 0 : index
    %get3A_50 = vector.load %arg7[%get3A_48, %get3A_49] : memref<16x256xf32, #tpu.memory_space<vmem>>, vector<16x256xf32>
    %dot_general3A_51 = arith.constant dense<0.000000e+00> : vector<3200x256xf32>
    %dot_general3A_52 = tpu.matmul %concatenate3A_37, %get3A_50, %dot_general3A_51 {dimension_numbers = #tpu.dot_dimension_numbers<[1], [0], [0], [1], [0, 0, 1, 1], [], []>, transpose_lhs_hint = false} : vector<3200x16xf32>, vector<16x256xf32>, vector<3200x256xf32> -> vector<3200x256xf32>
    %mul3A = arith.mulf %add3A_47, %dot_general3A_52 : vector<3200x256xf32>
    %get3A_53 = arith.constant 0 : index
    %get3A_54 = arith.constant 0 : index
    %get3A_55 = vector.load %arg8[%get3A_53, %get3A_54] : memref<256x16xf32, #tpu.memory_space<vmem>>, vector<256x16xf32>
    %dot_general3A_56 = arith.constant dense<0.000000e+00> : vector<3200x16xf32>
    %dot_general3A_57 = tpu.matmul %mul3A, %get3A_55, %dot_general3A_56 {dimension_numbers = #tpu.dot_dimension_numbers<[1], [0], [0], [1], [0, 0, 1, 1], [], []>, transpose_lhs_hint = false} : vector<3200x256xf32>, vector<256x16xf32>, vector<3200x16xf32> -> vector<3200x16xf32>
    %slice3A_58 = vector.extract_strided_slice %dot_general3A_57 {offsets = [0, 0], sizes = [400, 16], strides = [1, 1]} : vector<3200x16xf32> to vector<400x16xf32>
    %slice3A_59 = vector.extract_strided_slice %dot_general3A_57 {offsets = [400, 0], sizes = [400, 16], strides = [1, 1]} : vector<3200x16xf32> to vector<400x16xf32>
    %slice3A_60 = vector.extract_strided_slice %dot_general3A_57 {offsets = [800, 0], sizes = [400, 16], strides = [1, 1]} : vector<3200x16xf32> to vector<400x16xf32>
    %slice3A_61 = vector.extract_strided_slice %dot_general3A_57 {offsets = [1200, 0], sizes = [400, 16], strides = [1, 1]} : vector<3200x16xf32> to vector<400x16xf32>
    %slice3A_62 = vector.extract_strided_slice %dot_general3A_57 {offsets = [1600, 0], sizes = [400, 16], strides = [1, 1]} : vector<3200x16xf32> to vector<400x16xf32>
    %slice3A_63 = vector.extract_strided_slice %dot_general3A_57 {offsets = [2000, 0], sizes = [400, 16], strides = [1, 1]} : vector<3200x16xf32> to vector<400x16xf32>
    %slice3A_64 = vector.extract_strided_slice %dot_general3A_57 {offsets = [2400, 0], sizes = [400, 16], strides = [1, 1]} : vector<3200x16xf32> to vector<400x16xf32>
    %slice3A_65 = vector.extract_strided_slice %dot_general3A_57 {offsets = [2800, 0], sizes = [400, 16], strides = [1, 1]} : vector<3200x16xf32> to vector<400x16xf32>
    %concatenate3A_66 = tpu.concatenate %slice3A_58, %slice3A_59, %slice3A_60, %slice3A_61, %slice3A_62, %slice3A_63, %slice3A_64, %slice3A_65 in 1 : vector<400x16xf32>, vector<400x16xf32>, vector<400x16xf32>, vector<400x16xf32>, vector<400x16xf32>, vector<400x16xf32>, vector<400x16xf32>, vector<400x16xf32> -> vector<400x128xf32>
    %swap3A = arith.constant 0 : index
    %swap3A_67 = arith.constant 0 : index
    %swap3A_68 = vector.load %arg9[%swap3A, %swap3A_67] : memref<400x128xf32, #tpu.memory_space<vmem>>, vector<400x128xf32>
    tpu.vector_store %arg9[%swap3A, %swap3A_67], %concatenate3A_66 {strides = array<i32>} : memref<400x128xf32, #tpu.memory_space<vmem>>, vector<400x128xf32>,
    return
  }
  func.func @transform_0(%arg0: i32) -> (i32, i32) {
    %c0_i32 = arith.constant 0 : i32
    %c0_i32_0 = arith.constant 0 : i32
    return %c0_i32, %arg0 : i32, i32
  }
  func.func @transform_1(%arg0: i32) -> (i32, i32) {
    %c0_i32 = arith.constant 0 : i32
    %c0_i32_0 = arith.constant 0 : i32
    return %arg0, %c0_i32 : i32, i32
  }
  func.func @transform_2(%arg0: i32) -> (i32, i32) {
    %c0_i32 = arith.constant 0 : i32
    %c0_i32_0 = arith.constant 0 : i32
    %c0_i32_1 = arith.constant 0 : i32
    return %c0_i32, %c0_i32_0 : i32, i32
  }
  func.func @transform_3(%arg0: i32) -> (i32, i32) {
    %c0_i32 = arith.constant 0 : i32
    %c0_i32_0 = arith.constant 0 : i32
    %c0_i32_1 = arith.constant 0 : i32
    return %c0_i32, %c0_i32_0 : i32, i32
  }
  func.func @transform_4(%arg0: i32) -> (i32, i32) {
    %c0_i32 = arith.constant 0 : i32
    %c0_i32_0 = arith.constant 0 : i32
    %c0_i32_1 = arith.constant 0 : i32
    return %c0_i32, %c0_i32_0 : i32, i32
  }
  func.func @transform_5(%arg0: i32) -> (i32, i32) {
    %c0_i32 = arith.constant 0 : i32
    %c0_i32_0 = arith.constant 0 : i32
    %c0_i32_1 = arith.constant 0 : i32
    return %c0_i32, %c0_i32_0 : i32, i32
  }
  func.func @transform_6(%arg0: i32) -> (i32, i32) {
    %c0_i32 = arith.constant 0 : i32
    %c0_i32_0 = arith.constant 0 : i32
    %c0_i32_1 = arith.constant 0 : i32
    return %c0_i32, %c0_i32_0 : i32, i32
  }
  func.func @transform_7(%arg0: i32) -> (i32, i32) {
    %c0_i32 = arith.constant 0 : i32
    %c0_i32_0 = arith.constant 0 : i32
    %c0_i32_1 = arith.constant 0 : i32
    return %c0_i32, %c0_i32_0 : i32, i32
  }
  func.func @transform_8(%arg0: i32) -> (i32, i32) {
    %c0_i32 = arith.constant 0 : i32
    %c0_i32_0 = arith.constant 0 : i32
    return %arg0, %c0_i32 : i32, i32
  }
}

module attributes {stable_mosaic.version = 14 : i64} {
  func.func @_tc_node_body(%arg0: memref<2x10000x16xf32, #tpu.memory_space<vmem>>, %arg1: memref<2x10000x1xf32, #tpu.memory_space<vmem>>, %arg2: memref<10000x16xf32, #tpu.memory_space<vmem>>, %arg3: memref<16x16xf32, #tpu.memory_space<vmem>>, %arg4: memref<1x16xf32, #tpu.memory_space<vmem>>, %arg5: memref<1x16xf32, #tpu.memory_space<vmem>>, %arg6: memref<1x16xf32, #tpu.memory_space<vmem>>, %arg7: memref<1x16xf32, #tpu.memory_space<vmem>>, %arg8: memref<10000x16xf32, #tpu.memory_space<vmem>>) attributes {dimension_semantics = [], scalar_prefetch = 0 : i64, scratch_operands = 0 : i64, tpu.core_type = #tpu.core_type<tc>} {
    %get3A = arith.constant 0 : index
    %get3A_0 = arith.constant 0 : index
    %get3A_1 = arith.constant 0 : index
    %get3A_2 = vector.load %arg0[%get3A, %get3A_0, %get3A_1] : memref<2x10000x16xf32, #tpu.memory_space<vmem>>, vector<1x10000x16xf32>
    %get3A_3 = vector.shape_cast %get3A_2 : vector<1x10000x16xf32> to vector<10000x16xf32>
    %get3A_4 = arith.constant 1 : index
    %get3A_5 = arith.constant 0 : index
    %get3A_6 = arith.constant 0 : index
    %get3A_7 = vector.load %arg0[%get3A_4, %get3A_5, %get3A_6] : memref<2x10000x16xf32, #tpu.memory_space<vmem>>, vector<1x10000x16xf32>
    %get3A_8 = vector.shape_cast %get3A_7 : vector<1x10000x16xf32> to vector<10000x16xf32>
    %add3A = arith.addf %get3A_3, %get3A_8 : vector<10000x16xf32>
    %get3A_9 = arith.constant 0 : index
    %get3A_10 = arith.constant 0 : index
    %get3A_11 = arith.constant 0 : index
    %get3A_12 = vector.load %arg1[%get3A_9, %get3A_10, %get3A_11] : memref<2x10000x1xf32, #tpu.memory_space<vmem>>, vector<1x10000x1xf32>
    %get3A_13 = vector.shape_cast %get3A_12 : vector<1x10000x1xf32> to vector<10000x1xf32>
    %get3A_14 = arith.constant 1 : index
    %get3A_15 = arith.constant 0 : index
    %get3A_16 = arith.constant 0 : index
    %get3A_17 = vector.load %arg1[%get3A_14, %get3A_15, %get3A_16] : memref<2x10000x1xf32, #tpu.memory_space<vmem>>, vector<1x10000x1xf32>
    %get3A_18 = vector.shape_cast %get3A_17 : vector<1x10000x1xf32> to vector<10000x1xf32>
    %add3A_19 = arith.addf %get3A_13, %get3A_18 : vector<10000x1xf32>
    %max3A = arith.constant 1.000000e+00 : f32
    %max3A_20 = vector.broadcast %max3A : f32 to vector<10000x1xf32>
    %max3A_21 = arith.maximumf %add3A_19, %max3A_20 : vector<10000x1xf32>
    %div3A = arith.constant 1.000000e+00 : f32
    %div3A_22 = vector.broadcast %div3A : f32 to vector<10000x1xf32>
    %div3A_23 = arith.divf %div3A_22, %max3A_21 : vector<10000x1xf32>
    %mul3A = vector.broadcast %div3A_23 : vector<10000x1xf32> to vector<10000x16xf32>
    %mul3A_24 = arith.mulf %add3A, %mul3A : vector<10000x16xf32>
    %get3A_25 = arith.constant 0 : index
    %get3A_26 = arith.constant 0 : index
    %get3A_27 = vector.load %arg2[%get3A_25, %get3A_26] : memref<10000x16xf32, #tpu.memory_space<vmem>>, vector<10000x16xf32>
    %get3A_28 = arith.constant 0 : index
    %get3A_29 = arith.constant 0 : index
    %get3A_30 = vector.load %arg3[%get3A_28, %get3A_29] : memref<16x16xf32, #tpu.memory_space<vmem>>, vector<16x16xf32>
    %dot_general3A = arith.constant dense<0.000000e+00> : vector<10000x16xf32>
    %dot_general3A_31 = tpu.matmul %get3A_27, %get3A_30, %dot_general3A {dimension_numbers = #tpu.dot_dimension_numbers<[1], [0], [0], [1], [0, 0, 1, 1], [], []>, transpose_lhs_hint = false} : vector<10000x16xf32>, vector<16x16xf32>, vector<10000x16xf32> -> vector<10000x16xf32>
    %add3A_32 = arith.addf %mul3A_24, %dot_general3A_31 : vector<10000x16xf32>
    %get3A_33 = arith.constant 0 : index
    %get3A_34 = arith.constant 0 : index
    %get3A_35 = vector.load %arg4[%get3A_33, %get3A_34] : memref<1x16xf32, #tpu.memory_space<vmem>>, vector<1x16xf32>
    %add3A_36 = vector.broadcast %get3A_35 : vector<1x16xf32> to vector<10000x16xf32>
    %add3A_37 = arith.addf %add3A_32, %add3A_36 : vector<10000x16xf32>
    %reduce_sum3A = arith.constant dense<0.000000e+00> : vector<16xf32>
    %reduce_sum3A_38 = vector.multi_reduction <add>, %add3A_37, %reduce_sum3A [0] : vector<10000x16xf32> to vector<16xf32>
    %broadcast_in_dim3A = vector.shape_cast %reduce_sum3A_38 : vector<16xf32> to vector<1x16xf32>
    %div3A_39 = arith.constant 1.000000e+04 : f32
    %div3A_40 = vector.broadcast %div3A_39 : f32 to vector<1x16xf32>
    %div3A_41 = arith.divf %broadcast_in_dim3A, %div3A_40 : vector<1x16xf32>
    %get3A_42 = arith.constant 0 : index
    %get3A_43 = arith.constant 0 : index
    %get3A_44 = vector.load %arg7[%get3A_42, %get3A_43] : memref<1x16xf32, #tpu.memory_space<vmem>>, vector<1x16xf32>
    %mul3A_45 = arith.mulf %get3A_44, %div3A_41 : vector<1x16xf32>
    %sub3A = vector.broadcast %mul3A_45 : vector<1x16xf32> to vector<10000x16xf32>
    %sub3A_46 = arith.subf %add3A_37, %sub3A : vector<10000x16xf32>
    %mul3A_47 = arith.mulf %sub3A_46, %sub3A_46 : vector<10000x16xf32>
    %reduce_sum3A_48 = arith.constant dense<0.000000e+00> : vector<16xf32>
    %reduce_sum3A_49 = vector.multi_reduction <add>, %mul3A_47, %reduce_sum3A_48 [0] : vector<10000x16xf32> to vector<16xf32>
    %broadcast_in_dim3A_50 = vector.shape_cast %reduce_sum3A_49 : vector<16xf32> to vector<1x16xf32>
    %div3A_51 = arith.constant 1.000000e+04 : f32
    %div3A_52 = vector.broadcast %div3A_51 : f32 to vector<1x16xf32>
    %div3A_53 = arith.divf %broadcast_in_dim3A_50, %div3A_52 : vector<1x16xf32>
    %get3A_54 = arith.constant 0 : index
    %get3A_55 = arith.constant 0 : index
    %get3A_56 = vector.load %arg5[%get3A_54, %get3A_55] : memref<1x16xf32, #tpu.memory_space<vmem>>, vector<1x16xf32>
    %mul3A_57 = vector.broadcast %get3A_56 : vector<1x16xf32> to vector<10000x16xf32>
    %mul3A_58 = arith.mulf %mul3A_57, %sub3A_46 : vector<10000x16xf32>
    %add3A_59 = arith.constant 9.99999974E-6 : f32
    %add3A_60 = vector.broadcast %add3A_59 : f32 to vector<1x16xf32>
    %add3A_61 = arith.addf %div3A_53, %add3A_60 : vector<1x16xf32>
    %rsqrt3A = math.rsqrt %add3A_61 : vector<1x16xf32>
    %mul3A_62 = vector.broadcast %rsqrt3A : vector<1x16xf32> to vector<10000x16xf32>
    %mul3A_63 = arith.mulf %mul3A_58, %mul3A_62 : vector<10000x16xf32>
    %get3A_64 = arith.constant 0 : index
    %get3A_65 = arith.constant 0 : index
    %get3A_66 = vector.load %arg6[%get3A_64, %get3A_65] : memref<1x16xf32, #tpu.memory_space<vmem>>, vector<1x16xf32>
    %add3A_67 = vector.broadcast %get3A_66 : vector<1x16xf32> to vector<10000x16xf32>
    %add3A_68 = arith.addf %mul3A_63, %add3A_67 : vector<10000x16xf32>
    %ge3A = arith.constant 0.000000e+00 : f32
    %ge3A_69 = vector.broadcast %ge3A : f32 to vector<10000x16xf32>
    %ge3A_70 = arith.cmpf oge, %add3A_68, %ge3A_69 : vector<10000x16xf32>
    %mul3A_71 = arith.constant 2.000000e-01 : f32
    %mul3A_72 = vector.broadcast %mul3A_71 : f32 to vector<10000x16xf32>
    %mul3A_73 = arith.mulf %mul3A_72, %add3A_68 : vector<10000x16xf32>
    %select_n3A = arith.select %ge3A_70, %add3A_68, %mul3A_73 : vector<10000x16xi1>, vector<10000x16xf32>
    %swap3A = arith.constant 0 : index
    %swap3A_74 = arith.constant 0 : index
    %swap3A_75 = vector.load %arg8[%swap3A, %swap3A_74] : memref<10000x16xf32, #tpu.memory_space<vmem>>, vector<10000x16xf32>
    tpu.vector_store %arg8[%swap3A, %swap3A_74], %select_n3A {strides = array<i32>} : memref<10000x16xf32, #tpu.memory_space<vmem>>, vector<10000x16xf32>,
    return
  }
}

module attributes {stable_mosaic.version = 14 : i64} {
  func.func @_tc_node_body(%arg0: memref<2x10000x16xf32, #tpu.memory_space<vmem>>, %arg1: memref<2x10000x1xf32, #tpu.memory_space<vmem>>, %arg2: memref<10000x16xf32, #tpu.memory_space<vmem>>, %arg3: memref<16x16xf32, #tpu.memory_space<vmem>>, %arg4: memref<1x16xf32, #tpu.memory_space<vmem>>, %arg5: memref<1x16xf32, #tpu.memory_space<vmem>>, %arg6: memref<1x16xf32, #tpu.memory_space<vmem>>, %arg7: memref<1x16xf32, #tpu.memory_space<vmem>>, %arg8: memref<10000x16xf32, #tpu.memory_space<vmem>>) attributes {dimension_semantics = [], scalar_prefetch = 0 : i64, scratch_operands = 0 : i64, tpu.core_type = #tpu.core_type<tc>} {
    %get3A = arith.constant 0 : index
    %get3A_0 = arith.constant 0 : index
    %get3A_1 = arith.constant 0 : index
    %get3A_2 = vector.load %arg0[%get3A, %get3A_0, %get3A_1] : memref<2x10000x16xf32, #tpu.memory_space<vmem>>, vector<1x10000x16xf32>
    %get3A_3 = vector.shape_cast %get3A_2 : vector<1x10000x16xf32> to vector<10000x16xf32>
    %get3A_4 = arith.constant 1 : index
    %get3A_5 = arith.constant 0 : index
    %get3A_6 = arith.constant 0 : index
    %get3A_7 = vector.load %arg0[%get3A_4, %get3A_5, %get3A_6] : memref<2x10000x16xf32, #tpu.memory_space<vmem>>, vector<1x10000x16xf32>
    %get3A_8 = vector.shape_cast %get3A_7 : vector<1x10000x16xf32> to vector<10000x16xf32>
    %add3A = arith.addf %get3A_3, %get3A_8 : vector<10000x16xf32>
    %get3A_9 = arith.constant 0 : index
    %get3A_10 = arith.constant 0 : index
    %get3A_11 = arith.constant 0 : index
    %get3A_12 = vector.load %arg1[%get3A_9, %get3A_10, %get3A_11] : memref<2x10000x1xf32, #tpu.memory_space<vmem>>, vector<1x10000x1xf32>
    %get3A_13 = vector.shape_cast %get3A_12 : vector<1x10000x1xf32> to vector<10000x1xf32>
    %get3A_14 = arith.constant 1 : index
    %get3A_15 = arith.constant 0 : index
    %get3A_16 = arith.constant 0 : index
    %get3A_17 = vector.load %arg1[%get3A_14, %get3A_15, %get3A_16] : memref<2x10000x1xf32, #tpu.memory_space<vmem>>, vector<1x10000x1xf32>
    %get3A_18 = vector.shape_cast %get3A_17 : vector<1x10000x1xf32> to vector<10000x1xf32>
    %add3A_19 = arith.addf %get3A_13, %get3A_18 : vector<10000x1xf32>
    %max3A = arith.constant 1.000000e+00 : f32
    %max3A_20 = vector.broadcast %max3A : f32 to vector<10000x1xf32>
    %max3A_21 = arith.maximumf %add3A_19, %max3A_20 : vector<10000x1xf32>
    %div3A = arith.constant 1.000000e+00 : f32
    %div3A_22 = vector.broadcast %div3A : f32 to vector<10000x1xf32>
    %div3A_23 = arith.divf %div3A_22, %max3A_21 : vector<10000x1xf32>
    %mul3A = vector.broadcast %div3A_23 : vector<10000x1xf32> to vector<10000x16xf32>
    %mul3A_24 = arith.mulf %add3A, %mul3A : vector<10000x16xf32>
    %get3A_25 = arith.constant 0 : index
    %get3A_26 = arith.constant 0 : index
    %get3A_27 = vector.load %arg2[%get3A_25, %get3A_26] : memref<10000x16xf32, #tpu.memory_space<vmem>>, vector<10000x16xf32>
    %get3A_28 = arith.constant 0 : index
    %get3A_29 = arith.constant 0 : index
    %get3A_30 = vector.load %arg3[%get3A_28, %get3A_29] : memref<16x16xf32, #tpu.memory_space<vmem>>, vector<16x16xf32>
    %dot_general3A = arith.constant dense<0.000000e+00> : vector<10000x16xf32>
    %dot_general3A_31 = tpu.matmul %get3A_27, %get3A_30, %dot_general3A {dimension_numbers = #tpu.dot_dimension_numbers<[1], [0], [0], [1], [0, 0, 1, 1], [], []>, transpose_lhs_hint = false} : vector<10000x16xf32>, vector<16x16xf32>, vector<10000x16xf32> -> vector<10000x16xf32>
    %add3A_32 = arith.addf %mul3A_24, %dot_general3A_31 : vector<10000x16xf32>
    %get3A_33 = arith.constant 0 : index
    %get3A_34 = arith.constant 0 : index
    %get3A_35 = vector.load %arg4[%get3A_33, %get3A_34] : memref<1x16xf32, #tpu.memory_space<vmem>>, vector<1x16xf32>
    %add3A_36 = vector.broadcast %get3A_35 : vector<1x16xf32> to vector<10000x16xf32>
    %add3A_37 = arith.addf %add3A_32, %add3A_36 : vector<10000x16xf32>
    %reduce_sum3A = arith.constant dense<0.000000e+00> : vector<16xf32>
    %reduce_sum3A_38 = vector.multi_reduction <add>, %add3A_37, %reduce_sum3A [0] : vector<10000x16xf32> to vector<16xf32>
    %broadcast_in_dim3A = vector.shape_cast %reduce_sum3A_38 : vector<16xf32> to vector<1x16xf32>
    %div3A_39 = arith.constant 1.000000e+04 : f32
    %div3A_40 = vector.broadcast %div3A_39 : f32 to vector<1x16xf32>
    %div3A_41 = arith.divf %broadcast_in_dim3A, %div3A_40 : vector<1x16xf32>
    %get3A_42 = arith.constant 0 : index
    %get3A_43 = arith.constant 0 : index
    %get3A_44 = vector.load %arg7[%get3A_42, %get3A_43] : memref<1x16xf32, #tpu.memory_space<vmem>>, vector<1x16xf32>
    %mul3A_45 = arith.mulf %get3A_44, %div3A_41 : vector<1x16xf32>
    %sub3A = vector.broadcast %mul3A_45 : vector<1x16xf32> to vector<10000x16xf32>
    %sub3A_46 = arith.subf %add3A_37, %sub3A : vector<10000x16xf32>
    %mul3A_47 = arith.mulf %sub3A_46, %sub3A_46 : vector<10000x16xf32>
    %reduce_sum3A_48 = arith.constant dense<0.000000e+00> : vector<16xf32>
    %reduce_sum3A_49 = vector.multi_reduction <add>, %mul3A_47, %reduce_sum3A_48 [0] : vector<10000x16xf32> to vector<16xf32>
    %broadcast_in_dim3A_50 = vector.shape_cast %reduce_sum3A_49 : vector<16xf32> to vector<1x16xf32>
    %div3A_51 = arith.constant 1.000000e+04 : f32
    %div3A_52 = vector.broadcast %div3A_51 : f32 to vector<1x16xf32>
    %div3A_53 = arith.divf %broadcast_in_dim3A_50, %div3A_52 : vector<1x16xf32>
    %get3A_54 = arith.constant 0 : index
    %get3A_55 = arith.constant 0 : index
    %get3A_56 = vector.load %arg5[%get3A_54, %get3A_55] : memref<1x16xf32, #tpu.memory_space<vmem>>, vector<1x16xf32>
    %mul3A_57 = vector.broadcast %get3A_56 : vector<1x16xf32> to vector<10000x16xf32>
    %mul3A_58 = arith.mulf %mul3A_57, %sub3A_46 : vector<10000x16xf32>
    %add3A_59 = arith.constant 9.99999974E-6 : f32
    %add3A_60 = vector.broadcast %add3A_59 : f32 to vector<1x16xf32>
    %add3A_61 = arith.addf %div3A_53, %add3A_60 : vector<1x16xf32>
    %rsqrt3A = math.rsqrt %add3A_61 : vector<1x16xf32>
    %mul3A_62 = vector.broadcast %rsqrt3A : vector<1x16xf32> to vector<10000x16xf32>
    %mul3A_63 = arith.mulf %mul3A_58, %mul3A_62 : vector<10000x16xf32>
    %get3A_64 = arith.constant 0 : index
    %get3A_65 = arith.constant 0 : index
    %get3A_66 = vector.load %arg6[%get3A_64, %get3A_65] : memref<1x16xf32, #tpu.memory_space<vmem>>, vector<1x16xf32>
    %add3A_67 = vector.broadcast %get3A_66 : vector<1x16xf32> to vector<10000x16xf32>
    %add3A_68 = arith.addf %mul3A_63, %add3A_67 : vector<10000x16xf32>
    %swap3A = arith.constant 0 : index
    %swap3A_69 = arith.constant 0 : index
    %swap3A_70 = vector.load %arg8[%swap3A, %swap3A_69] : memref<10000x16xf32, #tpu.memory_space<vmem>>, vector<10000x16xf32>
    tpu.vector_store %arg8[%swap3A, %swap3A_69], %add3A_68 {strides = array<i32>} : memref<10000x16xf32, #tpu.memory_space<vmem>>, vector<10000x16xf32>,
    return
  }
}

</mosaic_0001>

<sc_bundles>
// kernel: kernel.12.cloned.1.call-start
scs
__scs_entry_jumppad:
0x0: {  	(pc) =	sbr.rel $0x88, $3  }
0x1: {  	(tag) =	ssettag $0x0;
	lr =	simm.s32 $0x1  }
0x2: {  	[smem:$0x3F8A] =	sst lr;
	_ =	strace $0xD0000000  }
0x3: {  	_ = 	snop  }
0x4: {  	_ = 	snop  }
0x5: {  	_ = 	snop  }
0x6: {  	_ = 	snop  }
0x7: {  	_ = 	snop  }
__scs_overlays_trampoline_lowered:
0x8: {  	[smem:$0x3F99] =	sst s0  }
0x9: {  	[smem:$0x3F9A] =	sst s1  }
0xa: {  	[smem:$0x3F9B] =	sst s2  }
0xb: {  	[smem:$0x3F9C] =	sst s3  }
0xc: {  	[smem:$0x3F9D] =	sst s4  }
0xd: {  	[smem:$0x3F9E] =	sst s5  }
0xe: {  	[smem:$0x3F9F] =	sst s6  }
0xf: {  	[smem:$0x3FA0] =	sst s7  }
0x10: {  	[smem:$0x3FA1] =	sst s8  }
0x11: {  	[smem:$0x3FA2] =	sst s9;
	s0 =	simm.s32 @!p0 $0x0  }
0x12: {  	s1 =	sld [smem:$0x3F88];
	s0 =	simm.s32 @p0 $0x1  }
0x13: {  	[smem:$0x3FA3] =	sst s0;
	s0 =	simm.s32 @!p1 $0x0  }
0x14: {  	s2 =	sld [smem:$0x3F87];
	s0 =	simm.s32 @p1 $0x1  }
0x15: {  	[smem:$0x3FA4] =	sst s0;
	s0 =	simm.s32 @!p2 $0x0  }
0x16: {  	s3 =	sld [smem:$0x3FDB];
	s0 =	simm.s32 @p2 $0x1  }
0x17: {  	s4 =	simm.s32 $0x1BF5;
	[smem:$0x3FA6] =	sst s0  }
0x18: {  	s0 =	sld [smem:$0x3F89];
	_ =	swait.ge [sflag:s4], $0x0  }
0x19: {  	s7 =	sld [smem:$0x3F8A]  }
0x1a: {  	s8 =	sadd.s32 $0xFFFFE003, lr  }
0x1b: {  	s9 =	sadd.s32 $0xFFFFFEF7, lr;
	s5 =	simm.s32 $0xFFFFFFFF;
	p2 =	slt.u32 s8, $0xFFFFF086  }
0x1c: {  	p1 =	slt.u32 s9, $0xF7A;
	s5 =	simm.s32 @!p2 $0x0  }
0x1d: {  	s5 =	simm.s32 @p1 $0x1;
	p0 =	seq.s32 s7, s2  }
0x1e: {  	s7 =	smul.u32 @!p0 $0xF7A, s2;
	p2 =	seq.s32 @!p0 s5, $0x0  }
0x1f: {  	s9 =	smul.u32 $0xF7A, s1;
	s8 =	simm.s32 @!p0 $0x1BF5;
	p2 =	por !p2, p0  }
0x20: {  	[sflag:s8] =	ssyncset.s32 @!p0 $0xFFFFF086;
	s6 =	sadd.s32 @!p0 s3, s7;
	s7 =	simm.s32 @!p0 $0x108  }
0x21: {  	s3 =	sadd.s32 s3, s9;
	s6 =	sadd.s32 @!p0 $0x88, s6;
	s7 =	simm.s32 @p2 $0x1082  }
0x22: {  	[simem:s7], [sflag:s8] =	dma.local @!p0 [hbm:s6], $0xF7A  }
0x23: {  	s9 =	sor.u32 $0xD0000000, s2;
	s6 =	simm.s32 $0x108;
	_ =	swait.ge @!p0 [sflag:s8], $0x0  }
0x24: {  	s3 =	sadd.s32 $0x88, s3;
	s6 =	simm.s32 @!p1 $0x1082;
	[sflag:s4] =	ssyncset.s32 $0xFFFFF086  }
0x25: {  	[simem:s6], [sflag:s4] =	dma.local [hbm:s3], $0xF7A  }
0x26: {  	[smem:$0x3F8A] =	sst s1;
	(tag) =	ssettag s2;
	_ =	strace s9  }
0x27: {  	s1 =	sld [smem:$0x3F9A]  }
0x28: {  	s2 =	sld [smem:$0x3F9B]  }
0x29: {  	s4 =	sld [smem:$0x3F9D]  }
0x2a: {  	p0 =	seq.s32 s5, $0x0;
	s5 =	sld [smem:$0x3F9E]  }
0x2b: {  	s6 =	sld [smem:$0x3F9F]  }
0x2c: {  	s7 =	sld [smem:$0x3FA0]  }
0x2d: {  	s3 =	simm.s32 $0x108;
	s8 =	sld [smem:$0x3FA1]  }
0x2e: {  	s3 =	simm.s32 @!p0 $0x1082;
	s9 =	sld [smem:$0x3FA2]  }
0x2f: {  	lr =	sadd.s32 s0, s3;
	s0 =	sld [smem:$0x3F99]  }
0x30: {  	s3 =	sld [smem:$0x3F9C]  }
0x31: {  	[smem:$0x3FA5] =	sst s10  }
0x32: {  	s10 =	sld [smem:$0x3FA3];
	_ =	sdelay $0x3  }
0x33: {  	p0 =	seq.s32 s10, $0x1;
	s10 =	sld [smem:$0x3FA5];
	_ =	sdelay $0x3  }
0x34: {  	[smem:$0x3FA5] =	sst s10  }
0x35: {  	s10 =	sld [smem:$0x3FA4];
	_ =	sdelay $0x3  }
0x36: {  	p1 =	seq.s32 s10, $0x1;
	s10 =	sld [smem:$0x3FA5];
	_ =	sdelay $0x3  }
0x37: {  	[smem:$0x3FA5] =	sst s10  }
0x38: {  	s10 =	sld [smem:$0x3FA6]  }
0x39: {  	_ = 	snop;
	(pc) =	sbr.ind lr, $3  }
0x3a: {  	_ = 	snop  }
0x3b: {  	_ = 	snop  }
0x3c: {  	p2 =	seq.s32 s10, $0x1;
	s10 =	sld [smem:$0x3FA5]  }
0x3d: {  	_ =	shalt  }
0x3e: {  	_ =	shalt  }
0x3f: {  	_ =	shalt  }
0x40: {  	_ =	shalt  }
0x41: {  	_ =	shalt  }
0x42: {  	_ =	shalt  }
0x43: {  	_ =	shalt  }
0x44: {  	_ =	shalt  }
0x45: {  	_ =	shalt  }
0x46: {  	_ =	shalt  }
0x47: {  	_ =	shalt  }
0x48: {  	_ =	shalt  }
0x49: {  	_ =	shalt  }
0x4a: {  	_ =	shalt  }
0x4b: {  	_ =	shalt  }
0x4c: {  	_ =	shalt  }
0x4d: {  	_ =	shalt  }
0x4e: {  	_ =	shalt  }
0x4f: {  	_ =	shalt  }
0x50: {  	_ =	shalt  }
0x51: {  	_ =	shalt  }
0x52: {  	_ =	shalt  }
0x53: {  	_ =	shalt  }
0x54: {  	_ =	shalt  }
0x55: {  	_ =	shalt  }
0x56: {  	_ =	shalt  }
0x57: {  	_ =	shalt  }
0x58: {  	_ =	shalt  }
0x59: {  	_ =	shalt  }
0x5a: {  	_ =	shalt  }
0x5b: {  	_ =	shalt  }
0x5c: {  	_ =	shalt  }
0x5d: {  	_ =	shalt  }
0x5e: {  	_ =	shalt  }
0x5f: {  	_ =	shalt  }
0x60: {  	_ =	shalt  }
0x61: {  	_ =	shalt  }
0x62: {  	_ =	shalt  }
0x63: {  	_ =	shalt  }
0x64: {  	_ =	shalt  }
0x65: {  	_ =	shalt  }
0x66: {  	_ =	shalt  }
0x67: {  	_ =	shalt  }
0x68: {  	_ =	shalt  }
0x69: {  	_ =	shalt  }
0x6a: {  	_ =	shalt  }
0x6b: {  	_ =	shalt  }
0x6c: {  	_ =	shalt  }
0x6d: {  	_ =	shalt  }
0x6e: {  	_ =	shalt  }
0x6f: {  	_ =	shalt  }
0x70: {  	_ =	shalt  }
0x71: {  	_ =	shalt  }
0x72: {  	_ =	shalt  }
0x73: {  	_ =	shalt  }
0x74: {  	_ =	shalt  }
0x75: {  	_ =	shalt  }
0x76: {  	_ =	shalt  }
0x77: {  	_ =	shalt  }
0x78: {  	_ =	shalt  }
0x79: {  	_ =	shalt  }
0x7a: {  	_ =	shalt  }
0x7b: {  	_ =	shalt  }
0x7c: {  	_ =	shalt  }
0x7d: {  	_ =	shalt  }
0x7e: {  	_ =	shalt  }
0x7f: {  	_ =	shalt  }
0x80: {  	_ =	shalt  }
0x81: {  	_ =	shalt  }
0x82: {  	_ =	shalt  }
0x83: {  	_ =	shalt  }
0x84: {  	_ =	shalt  }
0x85: {  	_ =	shalt  }
0x86: {  	_ =	shalt  }
0x87: {  	_ =	shalt  }
.Lfunc_end0:
.L_simem_size_0:
called_computation_lowered:
.L_overlay_start_0:
0x88: {  	s2 =	sld [smem:$0x3FD9]  }
0x89: {  	s3 =	sld [smem:$0x3FFE];
	_ =	sdelay $0x1  }
0x8a: {  	s1 =	srdreg.scid  }
0x8b: {  	s0 =	sand.u32 $0x1, s1  }
0x8c: {  	s17 =	sshll.u32 s0, $0xA;
	s2 =	sadd.s32 s3, s2  }
0x8d: {  	s2 =	sadd.s32 s2, s17  }
0x8e: {  	[smem:$0x3FB1] =	sst s2  }
0x8f: {  	_ = 	snop  }
0x90: {  	(tm) =	ssettm $0x1  }
0x91: {  	s18 =	sld [smem:$0x3FFB];
	_ =	sdelay $0x3  }
0x92: {  	_ =	strace s18  }
0x93: {  	s2 =	sld [smem:$0x3FFC];
	_ =	sdelay $0x3  }
0x94: {  	_ =	strace s2  }
0x95: {  	s2 =	sld [smem:$0x3FFD];
	_ =	sdelay $0x3  }
0x96: {  	_ =	strace s2  }
0x97: {  	_ =	strace $0x8FFFFFFF  }
0x98: {  	s19 =	sld [smem:$0x3FDB];
	_ =	sdelay $0x1  }
0x99: {  	s20 =	simm.s32 $_scs_section_size  }
0x9a: {  	s4 =	simm.s32 $_size__tile_overlayer_lowered;
	s5 =	simm.s32 $_tile_overlayer_lowered  }
0x9b: {  	s6 =	simm.s32 $0x1BFF;
	s21 =	sshll.u32 s5, $0x1;
	s3 =	sadd.s32 s20, s19  }
0x9c: {  	s22 =	simm.s32 $0x0;
	s4 =	sshll.u32 s4, $0x1;
	s5 =	sadd.s32 s21, s3  }
0x9d: {  	[timem:s22], [sflag:s6] =	dma.local [hbm:s5], s4  }
0x9e: {  	_ =	swait.ge [sflag:s6], s4  }
0x9f: {  	s4 =	ssub.s32 $0x0, s4;
	[sflag:s6] =	ssyncset.done $0x0  }
0xa0: {  	[sflag:s6] =	ssyncadd.s32 s4;
	_ =	sdelay $0x1  }
0xa1: {  	s23 =	simm.s32 $0x1B8B  }
0xa2: {  	_ =	swait.ge [sflag:s23], $0x1  }
0xa3: {  	[sflag:s23] =	ssyncset.done $0x0  }
0xa4: {  	[sflag:s23] =	ssyncadd.s32 $0xFFFFFFFF  }
0xa5: {  	s4 =	sld [smem:$0x0]  }
0xa6: {  	s5 =	sand.u32 $0xFFFFFFFE, s1  }
0xa7: {  	p0 =	sne.s32 s1, s5  }
0xa8: {  	s5 =	sshll.u32 @p0 s5, $0xE  }
0xa9: {  	s5 =	sadd.s32 @p0 $0x11B8D, s5;
	s6 =	sshll.u32 @p0 s4, $0x11  }
0xaa: {  	s5 =	sor.u32 @p0 s6, s5  }
0xab: {  	[sflag:s5] =	ssyncadd.remote.s32 @p0 $0x1;
	_ =	sdelay $0x1  }
0xac: {  	s5 =	simm.s32 @p0 $0x1B8D  }
0xad: {  	_ =	swait.eq @p0 [sflag:s5], $0x1  }
0xae: {  	[sflag:s5] =	ssyncadd.s32 @p0 $0xFFFFFFFF  }
0xaf: {  	s6 =	sshll.u32 @!p0 s1, $0xE  }
0xb0: {  	s6 =	sor.u32 @!p0 $0x4000, s6;
	s5 =	simm.s32 @!p0 $0x1B8D  }
0xb1: {  	s4 =	sshll.u32 @!p0 s4, $0x11;
	s6 =	sadd.s32 @!p0 $0x11B8D, s6;
	_ =	swait.eq @!p0 [sflag:s5], $0x1  }
0xb2: {  	s4 =	sor.u32 @!p0 s4, s6;
	[sflag:s5] =	ssyncadd.s32 @!p0 $0xFFFFFFFF  }
0xb3: {  	s25 =	simm.s32 $0x1B8E;
	s24 =	sld [smem:$0x3FFE];
	[sflag:s4] =	ssyncadd.remote.s32 @!p0 $0x1  }
0xb4: {  	s26 =	simm.s32 $execute0_lowered;
	[smem:$0x3FD2] =	sst s25  }
0xb5: {  	s5 =	sshll.u32 s26, $0x1;
	_ =	strace $0x80000049;
	[dreg:$0x1] =	wrdreg $0xFFFFFFFF  }
0xb6: {  	s28 =	simm.s32 $_size_execute0_lowered;
	s3 =	sadd.s32 s3, s5;
	[dreg:$0x0] =	wrdreg $0x0  }
0xb7: {  	s5 =	sshll.u32 s28, $0x1;
	[dreg:$0x2] =	wrdreg s3  }
0xb8: {  	[dreg:$0x3] =	wrdreg s5  }
0xb9: {  	[dreg:$0x4] =	wrdreg $0xC0  }
0xba: {  	_ =	task [dreg:s22], $0x5FFFF  }
0xbb: {  	[dreg:$0x1] =	wrdreg $0xFFFFFFFF  }
0xbc: {  	[dreg:$0x0] =	wrdreg $0x60  }
0xbd: {  	[dreg:$0x2] =	wrdreg s24  }
0xbe: {  	[dreg:$0x3] =	wrdreg $0x27100  }
0xbf: {  	[dreg:$0x4] =	wrdreg $0x9  }
0xc0: {  	_ =	task.clear_ibuf [dreg:s22], $0x5FFFF;
	_ =	strace $0x90000049  }
0xc1: {  	s29 =	simm.s32 $0x9;
	_ =	strace $0x8000004B  }
0xc2: {  	_ =	swait.ge [sflag:s29], $0x1  }
0xc3: {  	[sflag:s29] =	ssyncadd.s32 $0xFFFFFFFF  }
0xc4: {  	_ =	strace $0x9000004B  }
0xc5: {  	_ =	sfence  }
0xc6: {  	s30 =	sld [smem:$0x0];
	_ =	sdelay $0x2  }
0xc7: {  	s31 =	sshll.u32 s1, $0xD;
	s1 =	sshrl.u32 s1, $0x2  }
0xc8: {  	s4 =	sand.u32 $0x4000, s31;
	s1 =	sadd.s32 s1, s30  }
0xc9: {  	s0 =	sor.u32 s4, s0;
	s1 =	sshll.u32 s1, $0x11  }
0xca: {  	s0 =	sor.u32 s1, s0  }
0xcb: {  	s0 =	sadd.s32 $0x8F2B, s0  }
0xcc: {  	[sflag:s0] =	ssyncadd.remote.s32 $0x1  }
0xcd: {  	_ =	sfence.sel $0xFFFF  }
0xce: {  	[dreg:$0x0] =	wrdreg $0xFFFFFFFF;
	(pc) =	sbr.abs _section_cstart, $3  }
0xcf: {  	[dreg:$0x1] =	wrdreg $0xFFFFFFFF  }
0xd0: {  	_ =	task.clear_ibuf [dreg:s22], $0x2FFFF;
	_ =	strace $0x9FFFFFFF  }
0xd1: {  	(tm) =	ssettm $0x7FFFFFFF  }
tec
execute0_lowered:
.L_overlay_start_1:
0x0: {  	(tag) =	ssettag $0x1  }
0x1: {  	s3 =	srdreg.scid  }
0x2: {  	s3 =	sand.u32 $0x1, s3  }
0x3: {  	s8 =	ssub.s32 $0x2, s3  }
0x4: {  	s4 =	rddreg [dreg:$0x0];
	s10 =	sshrl.u32 s8, $0x1  }
0x5: {  	s1 =	rddreg [dreg:$0x1];
	s5 =	stileid.u32;
	s8 =	ssub.s32 s8, s10  }
0x6: {  	s0 =	rddreg [dreg:$0x2];
	s6 =	sshll.u32 s5, $0x1;
	s31 =	smax.u32 s8, $0x1  }
0x7: {  	s2 =	simm.s32 $0x0;
	s6 =	sor.u32 s3, s6;
	s12 =	sadd.s32 $0xFFFFFFFF, s31  }
0x8: {  	p1 =	por $0x0, $0x0;
	s6 =	smul.u32 $0x1388, s6;
	p2 =	sne.s32 s12, $0x0  }
.Ltmp0:
0x9: {  	[smem:$0x7FF] =	sst s2;
	s7 =	sadd.s32 $0x5CA00, s4;
	(pc) =	sbr.rel @!p2 .LBB2_3-.Ltmp0, $4  }
0xa: {  	p0 =	sne.s32 s5, $0x0;
	_ =	strace $0x8000004A;
	s9 =	smul.u32 $0x4E2, s3  }
0xb: {  	s3 =	sadd.s32 $0x5C600, s4;
	s5 =	sshrl.u32 @!p0 s1, $0x3;
	s6 =	sshrl.u32 s6, $0x3  }
0xc: {  	s30 =	sadd.s32 s9, s4;
	s8 =	simm.s32 $0x1388;
	s4 =	sadd.s32 s4, s6  }
0xd: {  	s6 =	simm.s32 $0x1;
	s9 =	sadd.s32 $0x9420, s4;
	s4 =	sadd.s32 $0x5D000, s30  }
0xe: {  	s11 =	simm.s32 @!p0 $0x1C01;
	s10 =	simm.s32 @!p0 $0x1  }
0xf: {  	[spmem:s5], [sflag:s11] =	dma.local @!p0 [hbm:s7], $0x4E2  }
0x10: {  	_ =	swait.ge @!p0 [sflag:s10], $0x4E2  }
0x11: {  	[sflag:s10] =	ssyncset.done @!p0 $0x0  }
0x12: {  	[sflag:s10] =	ssyncadd.s32 @!p0 $0xFFFFFB1E  }
0x13: {  	[bflag:$0x0] =	sbarrier.arrive $0xFFFF  }
0x14: {  	[tilespmem:s2], [sflag:$0x1] =	stream.linear.gather [hbm4b:s9+s2], $0x1388, $0x38;
	[tilespmem:$0x2988] =	vst v63  }
0x15: {  	_ =	swait.ge [sflag:s6], $0x1388  }
0x16: {  	[sflag:s6] =	ssyncset.done $0x0  }
0x17: {  	[sflag:s6] =	ssyncadd.s32 $0xFFFFEC78  }
0x18: {  	[tilespmem:s8], [sflag:$0x1] =	stream.linear.gather [hbm4b:s3+s2], $0x1388, $0x38;
	[tilespmem:$0x2988] =	vst v63  }
0x19: {  	_ =	swait.ge [sflag:s6], $0x1388  }
0x1a: {  	[sflag:s6] =	ssyncset.done $0x0  }
0x1b: {  	[sflag:s6] =	ssyncadd.s32 $0xFFFFEC78  }
0x1c: {  	[spmem:s1] =	stream.indirect.scatter.add.f32 [tilespmem:s8], [sflag:$0x1], $0x1, s2, s8, $0xb8;
	[tilespmem:$0x2988] =	vst v63  }
0x1d: {  	s12 =	sadd.s32 $0xFFFFFFFF, s12;
	_ =	swait.ge [sflag:s6], $0x1388  }
0x1e: {  	p2 =	sne.s32 s12, $0x0;
	[sflag:s6] =	ssyncset.done $0x0  }
.Ltmp1:
0x1f: {  	[sflag:s6] =	ssyncadd.s32 $0xFFFFEC78;
	(pc) =	sbr.rel @!p2 .LBB2_3-.Ltmp1, $4  }
0x20: {  	[bflag:$0x0] =	sbarrier.arrive $0xFFFF  }
0x21: {  	[hbm:s4], [sflag:s11] =	dma.local @!p0 [spmem:s5], $0x4E2  }
0x22: {  	_ =	swait.ge @!p0 [sflag:s10], $0x4E2  }
0x23: {  	p1 =	por $0x1, $0x1;
	[sflag:s10] =	ssyncset.done @!p0 $0x0  }
.LBB2_2:
0x24: {  	[sflag:s10] =	ssyncadd.s32 @!p0 $0xFFFFFB1E  }
0x25: {  	[spmem:s5], [sflag:s11] =	dma.local @!p0 [hbm:s7], $0x4E2  }
0x26: {  	s12 =	sadd.s32 $0xFFFFFFFF, s12;
	_ =	swait.ge @!p0 [sflag:s10], $0x4E2  }
0x27: {  	p2 =	sne.s32 s12, $0x0;
	[sflag:s10] =	ssyncset.done @!p0 $0x0  }
0x28: {  	[sflag:s10] =	ssyncadd.s32 @!p0 $0xFFFFFB1E  }
0x29: {  	[bflag:$0x0] =	sbarrier.arrive $0xFFFF  }
0x2a: {  	[tilespmem:s2], [sflag:$0x1] =	stream.linear.gather [hbm4b:s9+s2], $0x1388, $0x38;
	[tilespmem:$0x2988] =	vst v63  }
0x2b: {  	_ =	swait.ge [sflag:s6], $0x1388  }
0x2c: {  	[sflag:s6] =	ssyncset.done $0x0  }
0x2d: {  	[sflag:s6] =	ssyncadd.s32 $0xFFFFEC78  }
0x2e: {  	[tilespmem:s8], [sflag:$0x1] =	stream.linear.gather [hbm4b:s3+s2], $0x1388, $0x38;
	[tilespmem:$0x2988] =	vst v63  }
0x2f: {  	_ =	swait.ge [sflag:s6], $0x1388  }
0x30: {  	[sflag:s6] =	ssyncset.done $0x0  }
0x31: {  	[sflag:s6] =	ssyncadd.s32 $0xFFFFEC78  }
0x32: {  	[spmem:s1] =	stream.indirect.scatter.add.f32 [tilespmem:s8], [sflag:$0x1], $0x1, s2, s8, $0xb8;
	[tilespmem:$0x2988] =	vst v63  }
0x33: {  	_ =	swait.ge [sflag:s6], $0x1388  }
0x34: {  	[sflag:s6] =	ssyncset.done $0x0  }
.Ltmp2:
0x35: {  	[sflag:s6] =	ssyncadd.s32 $0xFFFFEC78;
	(pc) =	sbr.rel @p2 .LBB2_2-.Ltmp2, $4  }
0x36: {  	[bflag:$0x0] =	sbarrier.arrive $0xFFFF  }
0x37: {  	[hbm:s4], [sflag:s11] =	dma.local @!p0 [spmem:s5], $0x4E2  }
0x38: {  	_ =	swait.ge @!p0 [sflag:s10], $0x4E2  }
0x39: {  	[sflag:s10] =	ssyncset.done @!p0 $0x0  }
.LBB2_3:
0x3a: {  	p1 =	por p0, !p1  }
0x3b: {  	s11 =	simm.s32 @!p0 $0x1C01;
	s12 =	simm.s32 @!p0 $0x1;
	[sflag:s10] =	ssyncadd.s32 @!p1 $0xFFFFFB1E  }
0x3c: {  	[spmem:s5], [sflag:s11] =	dma.local @!p0 [hbm:s7], $0x4E2  }
0x3d: {  	_ =	swait.ge @!p0 [sflag:s12], $0x4E2  }
0x3e: {  	[sflag:s12] =	ssyncset.done @!p0 $0x0  }
0x3f: {  	[sflag:s12] =	ssyncadd.s32 @!p0 $0xFFFFFB1E  }
0x40: {  	[bflag:$0x0] =	sbarrier.arrive $0xFFFF  }
0x41: {  	[tilespmem:s2], [sflag:$0x1] =	stream.linear.gather [hbm4b:s9+s2], $0x1388, $0x38;
	[tilespmem:$0x2988] =	vst v63  }
0x42: {  	_ =	swait.ge [sflag:s6], $0x1388  }
0x43: {  	[sflag:s6] =	ssyncset.done $0x0  }
0x44: {  	[sflag:s6] =	ssyncadd.s32 $0xFFFFEC78  }
0x45: {  	[tilespmem:s8], [sflag:$0x1] =	stream.linear.gather [hbm4b:s3+s2], $0x1388, $0x38;
	[tilespmem:$0x2988] =	vst v63  }
0x46: {  	_ =	swait.ge [sflag:s6], $0x1388  }
0x47: {  	[sflag:s6] =	ssyncset.done $0x0  }
0x48: {  	[sflag:s6] =	ssyncadd.s32 $0xFFFFEC78  }
0x49: {  	[spmem:s1] =	stream.indirect.scatter.add.f32 [tilespmem:s8], [sflag:$0x1], $0x1, s2, s8, $0xb8;
	[tilespmem:$0x2988] =	vst v63  }
0x4a: {  	_ =	swait.ge [sflag:s6], $0x1388  }
0x4b: {  	[sflag:s6] =	ssyncset.done $0x0  }
0x4c: {  	[sflag:s6] =	ssyncadd.s32 $0xFFFFEC78  }
0x4d: {  	[bflag:$0x0] =	sbarrier.arrive $0xFFFF  }
0x4e: {  	[hbm:s4], [sflag:s11] =	dma.local @!p0 [spmem:s5], $0x4E2  }
0x4f: {  	_ =	swait.ge @!p0 [sflag:s12], $0x4E2  }
0x50: {  	[sflag:s12] =	ssyncset.done @!p0 $0x0  }
0x51: {  	[sflag:s12] =	ssyncadd.s32 @!p0 $0xFFFFFB1E  }
0x52: {  	_ =	sfence.sel $0x180000  }
0x53: {  	[bflag:$0x0] =	sbarrier.arrive $0xFFFF  }
0x54: {  	_ =	strace $0x9000004A  }
0x55: {  	s0 =	sadd.s32 @!p0 $0x100000, s0;
	[bflag:$0x2] =	sbarrier.arrive $0xFFFF  }
0x56: {  	[sflag:s0] =	ssyncadd.tile.s32 @!p0 $0x1;
	_ =	shalt  }
.Lfunc_end2:
_tile_overlayer_lowered:
.L_overlay_start_2:
0x57: {  	(tag) =	ssettag $0x2  }
0x58: {  	s0 =	rddreg [dreg:$0x0];
	s2 =	stileid.u32  }
0x59: {  	s1 =	rddreg [dreg:$0x1];
	p0 =	sne.s32 s2, $0x0  }
0x5a: {  	s3 =	rddreg [dreg:$0x2];
	[bflag:$0x3] =	sbarrier.arrive $0xFFFF;
	s2 =	simm.s32 @!p0 $0x1C01  }
0x5b: {  	[timem:s3], [sflag:s2] =	dma.local @!p0 [hbm:s0], s1  }
0x5c: {  	s0 =	simm.s32 @!p0 $0x1  }
0x5d: {  	_ =	swait.ge @!p0 [sflag:s0], s1  }
0x5e: {  	s1 =	ssub.s32 @!p0 $0x0, s1;
	[sflag:s0] =	ssyncset.done @!p0 $0x0  }
0x5f: {  	[sflag:s0] =	ssyncadd.s32 @!p0 s1  }
0x60: {  	[bflag:$0x3] =	sbarrier.arrive $0xFFFF  }
0x61: {  	_ =	shalt  }

// kernel: kernel.15.cloned.1.call-start
scs
__scs_entry_jumppad:
0x0: {  	(pc) =	sbr.rel $0x88, $3  }
0x1: {  	(tag) =	ssettag $0x0;
	lr =	simm.s32 $0x1  }
0x2: {  	[smem:$0x3F8A] =	sst lr;
	_ =	strace $0xD0000000  }
0x3: {  	_ = 	snop  }
0x4: {  	_ = 	snop  }
0x5: {  	_ = 	snop  }
0x6: {  	_ = 	snop  }
0x7: {  	_ = 	snop  }
__scs_overlays_trampoline_lowered:
0x8: {  	[smem:$0x3F99] =	sst s0  }
0x9: {  	[smem:$0x3F9A] =	sst s1  }
0xa: {  	[smem:$0x3F9B] =	sst s2  }
0xb: {  	[smem:$0x3F9C] =	sst s3  }
0xc: {  	[smem:$0x3F9D] =	sst s4  }
0xd: {  	[smem:$0x3F9E] =	sst s5  }
0xe: {  	[smem:$0x3F9F] =	sst s6  }
0xf: {  	[smem:$0x3FA0] =	sst s7  }
0x10: {  	[smem:$0x3FA1] =	sst s8  }
0x11: {  	[smem:$0x3FA2] =	sst s9;
	s0 =	simm.s32 @!p0 $0x0  }
0x12: {  	s1 =	sld [smem:$0x3F88];
	s0 =	simm.s32 @p0 $0x1  }
0x13: {  	[smem:$0x3FA3] =	sst s0;
	s0 =	simm.s32 @!p1 $0x0  }
0x14: {  	s2 =	sld [smem:$0x3F87];
	s0 =	simm.s32 @p1 $0x1  }
0x15: {  	[smem:$0x3FA4] =	sst s0;
	s0 =	simm.s32 @!p2 $0x0  }
0x16: {  	s3 =	sld [smem:$0x3FDB];
	s0 =	simm.s32 @p2 $0x1  }
0x17: {  	s4 =	simm.s32 $0x1BF5;
	[smem:$0x3FA6] =	sst s0  }
0x18: {  	s0 =	sld [smem:$0x3F89];
	_ =	swait.ge [sflag:s4], $0x0  }
0x19: {  	s7 =	sld [smem:$0x3F8A]  }
0x1a: {  	s8 =	sadd.s32 $0xFFFFE003, lr  }
0x1b: {  	s9 =	sadd.s32 $0xFFFFFEF7, lr;
	s5 =	simm.s32 $0xFFFFFFFF;
	p2 =	slt.u32 s8, $0xFFFFF086  }
0x1c: {  	p1 =	slt.u32 s9, $0xF7A;
	s5 =	simm.s32 @!p2 $0x0  }
0x1d: {  	s5 =	simm.s32 @p1 $0x1;
	p0 =	seq.s32 s7, s2  }
0x1e: {  	s7 =	smul.u32 @!p0 $0xF7A, s2;
	p2 =	seq.s32 @!p0 s5, $0x0  }
0x1f: {  	s9 =	smul.u32 $0xF7A, s1;
	s8 =	simm.s32 @!p0 $0x1BF5;
	p2 =	por !p2, p0  }
0x20: {  	[sflag:s8] =	ssyncset.s32 @!p0 $0xFFFFF086;
	s6 =	sadd.s32 @!p0 s3, s7;
	s7 =	simm.s32 @!p0 $0x108  }
0x21: {  	s3 =	sadd.s32 s3, s9;
	s6 =	sadd.s32 @!p0 $0x88, s6;
	s7 =	simm.s32 @p2 $0x1082  }
0x22: {  	[simem:s7], [sflag:s8] =	dma.local @!p0 [hbm:s6], $0xF7A  }
0x23: {  	s9 =	sor.u32 $0xD0000000, s2;
	s6 =	simm.s32 $0x108;
	_ =	swait.ge @!p0 [sflag:s8], $0x0  }
0x24: {  	s3 =	sadd.s32 $0x88, s3;
	s6 =	simm.s32 @!p1 $0x1082;
	[sflag:s4] =	ssyncset.s32 $0xFFFFF086  }
0x25: {  	[simem:s6], [sflag:s4] =	dma.local [hbm:s3], $0xF7A  }
0x26: {  	[smem:$0x3F8A] =	sst s1;
	(tag) =	ssettag s2;
	_ =	strace s9  }
0x27: {  	s1 =	sld [smem:$0x3F9A]  }
0x28: {  	s2 =	sld [smem:$0x3F9B]  }
0x29: {  	s4 =	sld [smem:$0x3F9D]  }
0x2a: {  	p0 =	seq.s32 s5, $0x0;
	s5 =	sld [smem:$0x3F9E]  }
0x2b: {  	s6 =	sld [smem:$0x3F9F]  }
0x2c: {  	s7 =	sld [smem:$0x3FA0]  }
0x2d: {  	s3 =	simm.s32 $0x108;
	s8 =	sld [smem:$0x3FA1]  }
0x2e: {  	s3 =	simm.s32 @!p0 $0x1082;
	s9 =	sld [smem:$0x3FA2]  }
0x2f: {  	lr =	sadd.s32 s0, s3;
	s0 =	sld [smem:$0x3F99]  }
0x30: {  	s3 =	sld [smem:$0x3F9C]  }
0x31: {  	[smem:$0x3FA5] =	sst s10  }
0x32: {  	s10 =	sld [smem:$0x3FA3];
	_ =	sdelay $0x3  }
0x33: {  	p0 =	seq.s32 s10, $0x1;
	s10 =	sld [smem:$0x3FA5];
	_ =	sdelay $0x3  }
0x34: {  	[smem:$0x3FA5] =	sst s10  }
0x35: {  	s10 =	sld [smem:$0x3FA4];
	_ =	sdelay $0x3  }
0x36: {  	p1 =	seq.s32 s10, $0x1;
	s10 =	sld [smem:$0x3FA5];
	_ =	sdelay $0x3  }
0x37: {  	[smem:$0x3FA5] =	sst s10  }
0x38: {  	s10 =	sld [smem:$0x3FA6]  }
0x39: {  	_ = 	snop;
	(pc) =	sbr.ind lr, $3  }
0x3a: {  	_ = 	snop  }
0x3b: {  	_ = 	snop  }
0x3c: {  	p2 =	seq.s32 s10, $0x1;
	s10 =	sld [smem:$0x3FA5]  }
0x3d: {  	_ =	shalt  }
0x3e: {  	_ =	shalt  }
0x3f: {  	_ =	shalt  }
0x40: {  	_ =	shalt  }
0x41: {  	_ =	shalt  }
0x42: {  	_ =	shalt  }
0x43: {  	_ =	shalt  }
0x44: {  	_ =	shalt  }
0x45: {  	_ =	shalt  }
0x46: {  	_ =	shalt  }
0x47: {  	_ =	shalt  }
0x48: {  	_ =	shalt  }
0x49: {  	_ =	shalt  }
0x4a: {  	_ =	shalt  }
0x4b: {  	_ =	shalt  }
0x4c: {  	_ =	shalt  }
0x4d: {  	_ =	shalt  }
0x4e: {  	_ =	shalt  }
0x4f: {  	_ =	shalt  }
0x50: {  	_ =	shalt  }
0x51: {  	_ =	shalt  }
0x52: {  	_ =	shalt  }
0x53: {  	_ =	shalt  }
0x54: {  	_ =	shalt  }
0x55: {  	_ =	shalt  }
0x56: {  	_ =	shalt  }
0x57: {  	_ =	shalt  }
0x58: {  	_ =	shalt  }
0x59: {  	_ =	shalt  }
0x5a: {  	_ =	shalt  }
0x5b: {  	_ =	shalt  }
0x5c: {  	_ =	shalt  }
0x5d: {  	_ =	shalt  }
0x5e: {  	_ =	shalt  }
0x5f: {  	_ =	shalt  }
0x60: {  	_ =	shalt  }
0x61: {  	_ =	shalt  }
0x62: {  	_ =	shalt  }
0x63: {  	_ =	shalt  }
0x64: {  	_ =	shalt  }
0x65: {  	_ =	shalt  }
0x66: {  	_ =	shalt  }
0x67: {  	_ =	shalt  }
0x68: {  	_ =	shalt  }
0x69: {  	_ =	shalt  }
0x6a: {  	_ =	shalt  }
0x6b: {  	_ =	shalt  }
0x6c: {  	_ =	shalt  }
0x6d: {  	_ =	shalt  }
0x6e: {  	_ =	shalt  }
0x6f: {  	_ =	shalt  }
0x70: {  	_ =	shalt  }
0x71: {  	_ =	shalt  }
0x72: {  	_ =	shalt  }
0x73: {  	_ =	shalt  }
0x74: {  	_ =	shalt  }
0x75: {  	_ =	shalt  }
0x76: {  	_ =	shalt  }
0x77: {  	_ =	shalt  }
0x78: {  	_ =	shalt  }
0x79: {  	_ =	shalt  }
0x7a: {  	_ =	shalt  }
0x7b: {  	_ =	shalt  }
0x7c: {  	_ =	shalt  }
0x7d: {  	_ =	shalt  }
0x7e: {  	_ =	shalt  }
0x7f: {  	_ =	shalt  }
0x80: {  	_ =	shalt  }
0x81: {  	_ =	shalt  }
0x82: {  	_ =	shalt  }
0x83: {  	_ =	shalt  }
0x84: {  	_ =	shalt  }
0x85: {  	_ =	shalt  }
0x86: {  	_ =	shalt  }
0x87: {  	_ =	shalt  }
.Lfunc_end0:
.L_simem_size_0:
called_computation.1_lowered:
.L_overlay_start_0:
0x88: {  	s2 =	sld [smem:$0x3FD9]  }
0x89: {  	s3 =	sld [smem:$0x3FFE];
	_ =	sdelay $0x1  }
0x8a: {  	s1 =	srdreg.scid  }
0x8b: {  	s0 =	sand.u32 $0x1, s1  }
0x8c: {  	s17 =	sshll.u32 s0, $0xA;
	s2 =	sadd.s32 s3, s2  }
0x8d: {  	s2 =	sadd.s32 s2, s17  }
0x8e: {  	[smem:$0x3FB1] =	sst s2  }
0x8f: {  	_ = 	snop  }
0x90: {  	s2 =	sld [smem:$0x3FD0];
	(tm) =	ssettm $0x1  }
0x91: {  	s18 =	sld [smem:$0x3FFB];
	_ =	sdelay $0x3  }
0x92: {  	_ =	strace s18  }
0x93: {  	s3 =	sld [smem:$0x3FFC];
	_ =	sdelay $0x3  }
0x94: {  	_ =	strace s3  }
0x95: {  	s3 =	sld [smem:$0x3FFD];
	_ =	sdelay $0x3  }
0x96: {  	_ =	strace s3  }
0x97: {  	_ =	strace $0x8FFFFFFF  }
0x98: {  	s19 =	sld [smem:$0x3FDB];
	_ =	sdelay $0x1  }
0x99: {  	s4 =	simm.s32 $_scs_section_size  }
0x9a: {  	s5 =	simm.s32 $_size__tile_overlayer_lowered;
	s6 =	simm.s32 $_tile_overlayer_lowered  }
0x9b: {  	s22 =	simm.s32 $0x1BFF;
	s21 =	sshll.u32 s6, $0x1;
	s3 =	sadd.s32 s4, s19  }
0x9c: {  	s7 =	simm.s32 $0x0;
	s20 =	sshll.u32 s5, $0x1;
	s5 =	sadd.s32 s21, s3  }
0x9d: {  	[timem:s7], [sflag:s22] =	dma.local [hbm:s5], s20  }
0x9e: {  	_ =	swait.ge [sflag:s22], s20  }
0x9f: {  	s4 =	ssub.s32 $0x0, s20;
	[sflag:s22] =	ssyncset.done $0x0  }
0xa0: {  	[sflag:s22] =	ssyncadd.s32 s4;
	_ =	sdelay $0x1  }
0xa1: {  	s23 =	simm.s32 $0x1B8B  }
0xa2: {  	_ =	swait.ge [sflag:s23], $0x1  }
0xa3: {  	[sflag:s23] =	ssyncset.done $0x0  }
0xa4: {  	s25 =	simm.s32 $0x1B8E;
	s24 =	sld [smem:$0x3FFE];
	[sflag:s23] =	ssyncadd.s32 $0xFFFFFFFF  }
0xa5: {  	s26 =	simm.s32 $execute0_lowered;
	[smem:$0x3FD2] =	sst s25  }
0xa6: {  	s5 =	sshll.u32 s26, $0x1;
	_ =	strace $0x80000046;
	[dreg:$0x1] =	wrdreg $0xFFFFFFFF  }
0xa7: {  	s28 =	simm.s32 $_size_execute0_lowered;
	s3 =	sadd.s32 s3, s5;
	[dreg:$0x0] =	wrdreg $0x0  }
0xa8: {  	s5 =	sshll.u32 s28, $0x1;
	[dreg:$0x2] =	wrdreg s3  }
0xa9: {  	[dreg:$0x3] =	wrdreg s5  }
0xaa: {  	[dreg:$0x4] =	wrdreg $0xC0  }
0xab: {  	_ =	task [dreg:s7], $0x5FFFF  }
0xac: {  	[dreg:$0x1] =	wrdreg $0xFFFFFFFF  }
0xad: {  	[dreg:$0x0] =	wrdreg $0x60  }
0xae: {  	[dreg:$0x2] =	wrdreg s2  }
0xaf: {  	[dreg:$0x3] =	wrdreg s24  }
0xb0: {  	[dreg:$0x4] =	wrdreg $0xA  }
0xb1: {  	_ =	task.clear_ibuf [dreg:s7], $0x5FFFF;
	_ =	strace $0x90000046  }
0xb2: {  	s29 =	simm.s32 $0xA;
	_ =	strace $0x80000048  }
0xb3: {  	_ =	swait.ge [sflag:s29], $0x1  }
0xb4: {  	[sflag:s29] =	ssyncadd.s32 $0xFFFFFFFF  }
0xb5: {  	_ =	strace $0x90000048  }
0xb6: {  	_ =	sfence  }
0xb7: {  	s30 =	sld [smem:$0x0];
	_ =	sdelay $0x2  }
0xb8: {  	s31 =	sshll.u32 s1, $0xD;
	s1 =	sshrl.u32 s1, $0x2  }
0xb9: {  	s3 =	sand.u32 $0x4000, s31;
	s1 =	sadd.s32 s1, s30  }
0xba: {  	s0 =	sor.u32 s3, s0;
	s1 =	sshll.u32 s1, $0x11  }
0xbb: {  	s0 =	sor.u32 s1, s0  }
0xbc: {  	s0 =	sadd.s32 $0x8F2B, s0  }
0xbd: {  	[sflag:s0] =	ssyncadd.remote.s32 $0x1  }
0xbe: {  	_ =	sfence.sel $0xFFFF  }
0xbf: {  	[dreg:$0x0] =	wrdreg $0xFFFFFFFF;
	(pc) =	sbr.abs _section_cstart, $3  }
0xc0: {  	[dreg:$0x1] =	wrdreg $0xFFFFFFFF  }
0xc1: {  	_ =	task.clear_ibuf [dreg:s7], $0x2FFFF;
	_ =	strace $0x9FFFFFFF  }
0xc2: {  	(tm) =	ssettm $0x7FFFFFFF  }
0xc3: {  	_ =	shalt  }
tec
execute0_lowered:
.L_overlay_start_1:
0x0: {  	(tag) =	ssettag $0x1  }
0x1: {  	s1 =	srdreg.scid;
	s0 =	stileid.u32  }
0x2: {  	s2 =	rddreg [dreg:$0x0];
	s6 =	sand.u32 $0x1, s1;
	s30 =	sshll.u32 s0, $0x1  }
0x3: {  	s8 =	rddreg [dreg:$0x1];
	s7 =	sor.u32 s6, s30  }
0x4: {  	s3 =	simm.s32 $0x0;
	s1 =	rddreg [dreg:$0x2];
	s4 =	smul.u32 $0x271, s7  }
0x5: {  	[smem:$0x7FF] =	sst s3  }
0x6: {  	_ =	strace $0x80000047;
	s10 =	ssub.s32 $0x2, s6;
	s4 =	sadd.s32 s4, s8  }
0x7: {  	s6 =	simm.s32 $0x1388;
	s5 =	sadd.s32 $0x4600, s4;
	s4 =	simm.s32 $0x2  }
0x8: {  	[tilespmem:s3], [sflag:$0x2] =	stream.linear.gather [hbm4b:s5+s3], $0x1388, $0x38;
	[tilespmem:$0x14C08] =	vst v63  }
0x9: {  	s9 =	smul.u32 $0x2710, s7;
	s11 =	sshrl.u32 s10, $0x1;
	_ =	swait.ge [sflag:s4], $0x1388  }
0xa: {  	s7 =	simm.s32 $0x1;
	s31 =	ssub.s32 s10, s11;
	[sflag:s4] =	ssyncset.done $0x0  }
0xb: {  	s8 =	sadd.s32 s9, s8;
	s9 =	smax.u32 s31, $0x1;
	[sflag:s4] =	ssyncadd.s32 $0xFFFFEC78  }
0xc: {  	[tilespmem:s6], [sflag:$0x1] =	stream.indirect.gather [hbm4b:s2+s6], $0x10, s3, s6, $0xb8;
	[tilespmem:$0x14C08] =	vst v63  }
0xd: {  	p0 =	sne.s32 s9, $0x1;
	_ =	swait.ge [sflag:s7], $0x13880  }
.Ltmp0:
0xe: {  	[sflag:s7] =	ssyncset.done $0x0;
	(pc) =	sbr.rel @!p0 .LBB2_2-.Ltmp0, $4  }
0xf: {  	s8 =	sadd.s32 $0xE400, s8;
	[sflag:s7] =	ssyncadd.s32 $0xFFFEC780  }
0x10: {  	[hbm4b:s8+s3] =	stream.linear.scatter [tilespmem:s6], [sflag:$0x2], $0x13880, $0x38;
	[tilespmem:$0x14C08] =	vst v63  }
0x11: {  	_ =	swait.ge [sflag:s4], $0x13880  }
0x12: {  	s9 =	sadd.s32 $0xFFFFFFFF, s9;
	[sflag:s4] =	ssyncset.done $0x0  }
.LBB2_1:
0x13: {  	p0 =	sne.s32 s9, $0x1;
	s9 =	sadd.s32 $0xFFFFFFFF, s9;
	[sflag:s4] =	ssyncadd.s32 $0xFFFEC780  }
0x14: {  	[tilespmem:s3], [sflag:$0x2] =	stream.linear.gather [hbm4b:s5+s3], $0x1388, $0x38;
	[tilespmem:$0x14C08] =	vst v63  }
0x15: {  	_ =	swait.ge [sflag:s4], $0x1388  }
0x16: {  	[sflag:s4] =	ssyncset.done $0x0  }
0x17: {  	[sflag:s4] =	ssyncadd.s32 $0xFFFFEC78  }
0x18: {  	[tilespmem:s6], [sflag:$0x1] =	stream.indirect.gather [hbm4b:s2+s6], $0x10, s3, s6, $0xb8;
	[tilespmem:$0x14C08] =	vst v63  }
0x19: {  	_ =	swait.ge [sflag:s7], $0x13880  }
.Ltmp1:
0x1a: {  	[sflag:s7] =	ssyncset.done $0x0;
	(pc) =	sbr.rel @p0 .LBB2_1-.Ltmp1, $4  }
0x1b: {  	[sflag:s7] =	ssyncadd.s32 $0xFFFEC780  }
0x1c: {  	[hbm4b:s8+s3] =	stream.linear.scatter [tilespmem:s6], [sflag:$0x2], $0x13880, $0x38;
	[tilespmem:$0x14C08] =	vst v63  }
0x1d: {  	_ =	swait.ge [sflag:s4], $0x13880  }
0x1e: {  	[sflag:s4] =	ssyncset.done $0x0  }
.LBB2_2:
0x1f: {  	[sflag:s4] =	ssyncadd.s32 $0xFFFEC780  }
0x20: {  	_ =	sfence.sel $0x180000  }
0x21: {  	[bflag:$0x0] =	sbarrier.arrive $0xFFFF  }
0x22: {  	p0 =	sne.s32 s0, $0x0;
	_ =	strace $0x90000047  }
0x23: {  	s0 =	sadd.s32 @!p0 $0x100000, s1;
	[bflag:$0x2] =	sbarrier.arrive $0xFFFF  }
0x24: {  	[sflag:s0] =	ssyncadd.tile.s32 @!p0 $0x1;
	_ =	shalt  }
.Lfunc_end2:
_tile_overlayer_lowered:
.L_overlay_start_2:
0x25: {  	(tag) =	ssettag $0x2  }
0x26: {  	s0 =	rddreg [dreg:$0x0];
	s2 =	stileid.u32  }
0x27: {  	s1 =	rddreg [dreg:$0x1];
	p0 =	sne.s32 s2, $0x0  }
0x28: {  	s3 =	rddreg [dreg:$0x2];
	[bflag:$0x3] =	sbarrier.arrive $0xFFFF;
	s2 =	simm.s32 @!p0 $0x1C02  }
0x29: {  	[timem:s3], [sflag:s2] =	dma.local @!p0 [hbm:s0], s1  }
0x2a: {  	s0 =	simm.s32 @!p0 $0x2  }
0x2b: {  	_ =	swait.ge @!p0 [sflag:s0], s1  }
0x2c: {  	s1 =	ssub.s32 @!p0 $0x0, s1;
	[sflag:s0] =	ssyncset.done @!p0 $0x0  }
0x2d: {  	[sflag:s0] =	ssyncadd.s32 @!p0 s1  }
0x2e: {  	[bflag:$0x3] =	sbarrier.arrive $0xFFFF  }
0x2f: {  	_ =	shalt  }

// kernel: kernel.18.cloned.1.call-start
scs
__scs_entry_jumppad:
0x0: {  	(pc) =	sbr.rel $0x88, $3  }
0x1: {  	(tag) =	ssettag $0x0;
	lr =	simm.s32 $0x1  }
0x2: {  	[smem:$0x3F8A] =	sst lr;
	_ =	strace $0xD0000000  }
0x3: {  	_ = 	snop  }
0x4: {  	_ = 	snop  }
0x5: {  	_ = 	snop  }
0x6: {  	_ = 	snop  }
0x7: {  	_ = 	snop  }
__scs_overlays_trampoline_lowered:
0x8: {  	[smem:$0x3F99] =	sst s0  }
0x9: {  	[smem:$0x3F9A] =	sst s1  }
0xa: {  	[smem:$0x3F9B] =	sst s2  }
0xb: {  	[smem:$0x3F9C] =	sst s3  }
0xc: {  	[smem:$0x3F9D] =	sst s4  }
0xd: {  	[smem:$0x3F9E] =	sst s5  }
0xe: {  	[smem:$0x3F9F] =	sst s6  }
0xf: {  	[smem:$0x3FA0] =	sst s7  }
0x10: {  	[smem:$0x3FA1] =	sst s8  }
0x11: {  	[smem:$0x3FA2] =	sst s9;
	s0 =	simm.s32 @!p0 $0x0  }
0x12: {  	s1 =	sld [smem:$0x3F88];
	s0 =	simm.s32 @p0 $0x1  }
0x13: {  	[smem:$0x3FA3] =	sst s0;
	s0 =	simm.s32 @!p1 $0x0  }
0x14: {  	s2 =	sld [smem:$0x3F87];
	s0 =	simm.s32 @p1 $0x1  }
0x15: {  	[smem:$0x3FA4] =	sst s0;
	s0 =	simm.s32 @!p2 $0x0  }
0x16: {  	s3 =	sld [smem:$0x3FDB];
	s0 =	simm.s32 @p2 $0x1  }
0x17: {  	s4 =	simm.s32 $0x1BF5;
	[smem:$0x3FA6] =	sst s0  }
0x18: {  	s0 =	sld [smem:$0x3F89];
	_ =	swait.ge [sflag:s4], $0x0  }
0x19: {  	s7 =	sld [smem:$0x3F8A]  }
0x1a: {  	s8 =	sadd.s32 $0xFFFFE003, lr  }
0x1b: {  	s9 =	sadd.s32 $0xFFFFFEF7, lr;
	s5 =	simm.s32 $0xFFFFFFFF;
	p2 =	slt.u32 s8, $0xFFFFF086  }
0x1c: {  	p1 =	slt.u32 s9, $0xF7A;
	s5 =	simm.s32 @!p2 $0x0  }
0x1d: {  	s5 =	simm.s32 @p1 $0x1;
	p0 =	seq.s32 s7, s2  }
0x1e: {  	s7 =	smul.u32 @!p0 $0xF7A, s2;
	p2 =	seq.s32 @!p0 s5, $0x0  }
0x1f: {  	s9 =	smul.u32 $0xF7A, s1;
	s8 =	simm.s32 @!p0 $0x1BF5;
	p2 =	por !p2, p0  }
0x20: {  	[sflag:s8] =	ssyncset.s32 @!p0 $0xFFFFF086;
	s6 =	sadd.s32 @!p0 s3, s7;
	s7 =	simm.s32 @!p0 $0x108  }
0x21: {  	s3 =	sadd.s32 s3, s9;
	s6 =	sadd.s32 @!p0 $0x88, s6;
	s7 =	simm.s32 @p2 $0x1082  }
0x22: {  	[simem:s7], [sflag:s8] =	dma.local @!p0 [hbm:s6], $0xF7A  }
0x23: {  	s9 =	sor.u32 $0xD0000000, s2;
	s6 =	simm.s32 $0x108;
	_ =	swait.ge @!p0 [sflag:s8], $0x0  }
0x24: {  	s3 =	sadd.s32 $0x88, s3;
	s6 =	simm.s32 @!p1 $0x1082;
	[sflag:s4] =	ssyncset.s32 $0xFFFFF086  }
0x25: {  	[simem:s6], [sflag:s4] =	dma.local [hbm:s3], $0xF7A  }
0x26: {  	[smem:$0x3F8A] =	sst s1;
	(tag) =	ssettag s2;
	_ =	strace s9  }
0x27: {  	s1 =	sld [smem:$0x3F9A]  }
0x28: {  	s2 =	sld [smem:$0x3F9B]  }
0x29: {  	s4 =	sld [smem:$0x3F9D]  }
0x2a: {  	p0 =	seq.s32 s5, $0x0;
	s5 =	sld [smem:$0x3F9E]  }
0x2b: {  	s6 =	sld [smem:$0x3F9F]  }
0x2c: {  	s7 =	sld [smem:$0x3FA0]  }
0x2d: {  	s3 =	simm.s32 $0x108;
	s8 =	sld [smem:$0x3FA1]  }
0x2e: {  	s3 =	simm.s32 @!p0 $0x1082;
	s9 =	sld [smem:$0x3FA2]  }
0x2f: {  	lr =	sadd.s32 s0, s3;
	s0 =	sld [smem:$0x3F99]  }
0x30: {  	s3 =	sld [smem:$0x3F9C]  }
0x31: {  	[smem:$0x3FA5] =	sst s10  }
0x32: {  	s10 =	sld [smem:$0x3FA3];
	_ =	sdelay $0x3  }
0x33: {  	p0 =	seq.s32 s10, $0x1;
	s10 =	sld [smem:$0x3FA5];
	_ =	sdelay $0x3  }
0x34: {  	[smem:$0x3FA5] =	sst s10  }
0x35: {  	s10 =	sld [smem:$0x3FA4];
	_ =	sdelay $0x3  }
0x36: {  	p1 =	seq.s32 s10, $0x1;
	s10 =	sld [smem:$0x3FA5];
	_ =	sdelay $0x3  }
0x37: {  	[smem:$0x3FA5] =	sst s10  }
0x38: {  	s10 =	sld [smem:$0x3FA6]  }
0x39: {  	_ = 	snop;
	(pc) =	sbr.ind lr, $3  }
0x3a: {  	_ = 	snop  }
0x3b: {  	_ = 	snop  }
0x3c: {  	p2 =	seq.s32 s10, $0x1;
	s10 =	sld [smem:$0x3FA5]  }
0x3d: {  	_ =	shalt  }
0x3e: {  	_ =	shalt  }
0x3f: {  	_ =	shalt  }
0x40: {  	_ =	shalt  }
0x41: {  	_ =	shalt  }
0x42: {  	_ =	shalt  }
0x43: {  	_ =	shalt  }
0x44: {  	_ =	shalt  }
0x45: {  	_ =	shalt  }
0x46: {  	_ =	shalt  }
0x47: {  	_ =	shalt  }
0x48: {  	_ =	shalt  }
0x49: {  	_ =	shalt  }
0x4a: {  	_ =	shalt  }
0x4b: {  	_ =	shalt  }
0x4c: {  	_ =	shalt  }
0x4d: {  	_ =	shalt  }
0x4e: {  	_ =	shalt  }
0x4f: {  	_ =	shalt  }
0x50: {  	_ =	shalt  }
0x51: {  	_ =	shalt  }
0x52: {  	_ =	shalt  }
0x53: {  	_ =	shalt  }
0x54: {  	_ =	shalt  }
0x55: {  	_ =	shalt  }
0x56: {  	_ =	shalt  }
0x57: {  	_ =	shalt  }
0x58: {  	_ =	shalt  }
0x59: {  	_ =	shalt  }
0x5a: {  	_ =	shalt  }
0x5b: {  	_ =	shalt  }
0x5c: {  	_ =	shalt  }
0x5d: {  	_ =	shalt  }
0x5e: {  	_ =	shalt  }
0x5f: {  	_ =	shalt  }
0x60: {  	_ =	shalt  }
0x61: {  	_ =	shalt  }
0x62: {  	_ =	shalt  }
0x63: {  	_ =	shalt  }
0x64: {  	_ =	shalt  }
0x65: {  	_ =	shalt  }
0x66: {  	_ =	shalt  }
0x67: {  	_ =	shalt  }
0x68: {  	_ =	shalt  }
0x69: {  	_ =	shalt  }
0x6a: {  	_ =	shalt  }
0x6b: {  	_ =	shalt  }
0x6c: {  	_ =	shalt  }
0x6d: {  	_ =	shalt  }
0x6e: {  	_ =	shalt  }
0x6f: {  	_ =	shalt  }
0x70: {  	_ =	shalt  }
0x71: {  	_ =	shalt  }
0x72: {  	_ =	shalt  }
0x73: {  	_ =	shalt  }
0x74: {  	_ =	shalt  }
0x75: {  	_ =	shalt  }
0x76: {  	_ =	shalt  }
0x77: {  	_ =	shalt  }
0x78: {  	_ =	shalt  }
0x79: {  	_ =	shalt  }
0x7a: {  	_ =	shalt  }
0x7b: {  	_ =	shalt  }
0x7c: {  	_ =	shalt  }
0x7d: {  	_ =	shalt  }
0x7e: {  	_ =	shalt  }
0x7f: {  	_ =	shalt  }
0x80: {  	_ =	shalt  }
0x81: {  	_ =	shalt  }
0x82: {  	_ =	shalt  }
0x83: {  	_ =	shalt  }
0x84: {  	_ =	shalt  }
0x85: {  	_ =	shalt  }
0x86: {  	_ =	shalt  }
0x87: {  	_ =	shalt  }
.Lfunc_end0:
.L_simem_size_0:
called_computation.2_lowered:
.L_overlay_start_0:
0x88: {  	s2 =	sld [smem:$0x3FD9]  }
0x89: {  	s3 =	sld [smem:$0x3FFE];
	_ =	sdelay $0x1  }
0x8a: {  	s1 =	srdreg.scid  }
0x8b: {  	s0 =	sand.u32 $0x1, s1  }
0x8c: {  	s17 =	sshll.u32 s0, $0xA;
	s2 =	sadd.s32 s3, s2  }
0x8d: {  	s2 =	sadd.s32 s2, s17  }
0x8e: {  	[smem:$0x3FB1] =	sst s2  }
0x8f: {  	_ = 	snop  }
0x90: {  	s18 =	sld [smem:$0x3FD0];
	(tm) =	ssettm $0x1  }
0x91: {  	s19 =	sld [smem:$0x3FFB];
	_ =	sdelay $0x3  }
0x92: {  	_ =	strace s19  }
0x93: {  	s2 =	sld [smem:$0x3FFC];
	_ =	sdelay $0x3  }
0x94: {  	_ =	strace s2  }
0x95: {  	s2 =	sld [smem:$0x3FFD];
	_ =	sdelay $0x3  }
0x96: {  	_ =	strace s2  }
0x97: {  	_ =	strace $0x8FFFFFFF  }
0x98: {  	s20 =	sld [smem:$0x3FDB];
	_ =	sdelay $0x1  }
0x99: {  	s4 =	simm.s32 $_scs_section_size  }
0x9a: {  	s5 =	simm.s32 $_size__tile_overlayer_lowered;
	s6 =	simm.s32 $_tile_overlayer_lowered  }
0x9b: {  	s7 =	simm.s32 $0x1BFF;
	s21 =	sshll.u32 s6, $0x1;
	s4 =	sadd.s32 s4, s20  }
0x9c: {  	s22 =	simm.s32 $0x0;
	s5 =	sshll.u32 s5, $0x1;
	s6 =	sadd.s32 s21, s4  }
0x9d: {  	[timem:s22], [sflag:s7] =	dma.local [hbm:s6], s5  }
0x9e: {  	_ =	swait.ge [sflag:s7], s5  }
0x9f: {  	s5 =	ssub.s32 $0x0, s5;
	[sflag:s7] =	ssyncset.done $0x0  }
0xa0: {  	[sflag:s7] =	ssyncadd.s32 s5;
	_ =	sdelay $0x1  }
0xa1: {  	s23 =	simm.s32 $0x1B8B  }
0xa2: {  	_ =	swait.ge [sflag:s23], $0x1  }
0xa3: {  	[sflag:s23] =	ssyncset.done $0x0  }
0xa4: {  	[sflag:s23] =	ssyncadd.s32 $0xFFFFFFFF  }
0xa5: {  	s5 =	sld [smem:$0x0]  }
0xa6: {  	s6 =	sand.u32 $0xFFFFFFFE, s1  }
0xa7: {  	p0 =	sne.s32 s1, s6  }
0xa8: {  	s6 =	sshll.u32 @p0 s6, $0xE  }
0xa9: {  	s6 =	sadd.s32 @p0 $0x11B8D, s6;
	s7 =	sshll.u32 @p0 s5, $0x11  }
0xaa: {  	s6 =	sor.u32 @p0 s7, s6  }
0xab: {  	[sflag:s6] =	ssyncadd.remote.s32 @p0 $0x1;
	_ =	sdelay $0x1  }
0xac: {  	s6 =	simm.s32 @p0 $0x1B8D  }
0xad: {  	_ =	swait.eq @p0 [sflag:s6], $0x1  }
0xae: {  	[sflag:s6] =	ssyncadd.s32 @p0 $0xFFFFFFFF  }
0xaf: {  	s7 =	sshll.u32 @!p0 s1, $0xE  }
0xb0: {  	s7 =	sor.u32 @!p0 $0x4000, s7;
	s6 =	simm.s32 @!p0 $0x1B8D  }
0xb1: {  	s5 =	sshll.u32 @!p0 s5, $0x11;
	s7 =	sadd.s32 @!p0 $0x11B8D, s7;
	_ =	swait.eq @!p0 [sflag:s6], $0x1  }
0xb2: {  	s5 =	sor.u32 @!p0 s5, s7;
	[sflag:s6] =	ssyncadd.s32 @!p0 $0xFFFFFFFF  }
0xb3: {  	s25 =	simm.s32 $0x1B8E;
	s24 =	sld [smem:$0x3FFE];
	[sflag:s5] =	ssyncadd.remote.s32 @!p0 $0x1  }
0xb4: {  	s26 =	simm.s32 $execute0_lowered;
	[smem:$0x3FD2] =	sst s25  }
0xb5: {  	s6 =	sshll.u32 s26, $0x1;
	_ =	strace $0x8000004C;
	[dreg:$0x1] =	wrdreg $0xFFFFFFFF  }
0xb6: {  	s28 =	simm.s32 $_size_execute0_lowered;
	s4 =	sadd.s32 s4, s6;
	[dreg:$0x0] =	wrdreg $0x0  }
0xb7: {  	s6 =	sshll.u32 s28, $0x1;
	[dreg:$0x2] =	wrdreg s4  }
0xb8: {  	[dreg:$0x3] =	wrdreg s6  }
0xb9: {  	[dreg:$0x4] =	wrdreg $0xC0  }
0xba: {  	_ =	task [dreg:s22], $0x5FFFF  }
0xbb: {  	[dreg:$0x1] =	wrdreg $0xFFFFFFFF  }
0xbc: {  	[dreg:$0x0] =	wrdreg $0x60  }
0xbd: {  	[dreg:$0x2] =	wrdreg s24  }
0xbe: {  	[dreg:$0x3] =	wrdreg s18  }
0xbf: {  	[dreg:$0x4] =	wrdreg $0x14C080  }
0xc0: {  	[dreg:$0x5] =	wrdreg $0xA  }
0xc1: {  	_ =	task.clear_ibuf [dreg:s22], $0x6FFFF;
	_ =	strace $0x9000004C  }
0xc2: {  	s29 =	simm.s32 $0xA;
	_ =	strace $0x8000004E  }
0xc3: {  	_ =	swait.ge [sflag:s29], $0x1  }
0xc4: {  	[sflag:s29] =	ssyncadd.s32 $0xFFFFFFFF  }
0xc5: {  	_ =	strace $0x9000004E  }
0xc6: {  	_ =	sfence  }
0xc7: {  	s30 =	sld [smem:$0x0];
	_ =	sdelay $0x2  }
0xc8: {  	s31 =	sshll.u32 s1, $0xD;
	s1 =	sshrl.u32 s1, $0x2  }
0xc9: {  	s4 =	sand.u32 $0x4000, s31;
	s1 =	sadd.s32 s1, s30  }
0xca: {  	s0 =	sor.u32 s4, s0;
	s1 =	sshll.u32 s1, $0x11  }
0xcb: {  	s0 =	sor.u32 s1, s0  }
0xcc: {  	s0 =	sadd.s32 $0x8F2B, s0  }
0xcd: {  	[sflag:s0] =	ssyncadd.remote.s32 $0x1  }
0xce: {  	_ =	sfence.sel $0xFFFF  }
0xcf: {  	[dreg:$0x0] =	wrdreg $0xFFFFFFFF;
	(pc) =	sbr.abs _section_cstart, $3  }
0xd0: {  	[dreg:$0x1] =	wrdreg $0xFFFFFFFF  }
0xd1: {  	_ =	task.clear_ibuf [dreg:s22], $0x2FFFF;
	_ =	strace $0x9FFFFFFF  }
0xd2: {  	(tm) =	ssettm $0x7FFFFFFF  }
0xd3: {  	_ =	shalt  }
tec
execute0_lowered:
.L_overlay_start_1:
0x0: {  	(tag) =	ssettag $0x1  }
0x1: {  	s4 =	rddreg [dreg:$0x0]  }
0x2: {  	s0 =	srdreg.scid;
	s3 =	rddreg [dreg:$0x1]  }
0x3: {  	s7 =	stileid.u32;
	s1 =	rddreg [dreg:$0x2]  }
0x4: {  	s2 =	simm.s32 $0x0;
	s5 =	sand.u32 $0x1, s0;
	s26 =	sshll.u32 s7, $0x1  }
0x5: {  	s6 =	sor.u32 s5, s26;
	s9 =	smul.u32 $0x27100, s5;
	s5 =	ssub.s32 $0x2, s5  }
0x6: {  	p1 =	por $0x0, $0x0;
	s0 =	rddreg [dreg:$0x3];
	s29 =	sshrl.u32 s5, $0x1  }
0x7: {  	[smem:$0x7FF] =	sst s2;
	s10 =	smul.u32 $0x2710, s7;
	s5 =	ssub.s32 s5, s29  }
0x8: {  	p0 =	sne.s32 s7, $0x0;
	s7 =	sshll.u32 s7, $0x6;
	s31 =	smax.u32 s5, $0x1  }
0x9: {  	_ =	strace $0x8000004D;
	s8 =	smul.u32 $0x2710, s6;
	s14 =	sadd.s32 $0xFFFFFFFF, s31  }
0xa: {  	s7 =	sor.u32 $0x1C01, s7;
	s6 =	smul.u32 $0x1388, s6;
	p2 =	sne.s32 s14, $0x0  }
.Ltmp0:
0xb: {  	s30 =	sadd.s32 s10, s1;
	s28 =	sadd.s32 s10, s9;
	(pc) =	sbr.rel @!p2 .LBB2_3-.Ltmp0, $4  }
0xc: {  	s10 =	simm.s32 $0x1388;
	s9 =	sshrl.u32 s30, $0x3;
	s11 =	sadd.s32 s8, s4  }
0xd: {  	s8 =	sshrl.u32 s28, $0x3;
	s6 =	sshrl.u32 s6, $0x3;
	s5 =	simm.s32 $0x1  }
0xe: {  	s12 =	sadd.s32 s8, s4;
	s4 =	sadd.s32 s4, s6;
	s6 =	sadd.s32 $0xE400, s11  }
0xf: {  	s11 =	sshrl.u32 @!p0 s1, $0x3;
	s8 =	sadd.s32 $0x9420, s4;
	s4 =	sadd.s32 $0x5DA00, s12  }
0x10: {  	s12 =	simm.s32 @!p0 $0x1C01;
	s13 =	simm.s32 @!p0 $0x1  }
0x11: {  	[spmem:s11], [sflag:s12] =	dma.local @!p0 [hbm:s3], $0x4E20  }
0x12: {  	_ =	swait.ge @!p0 [sflag:s13], $0x4E20  }
0x13: {  	[sflag:s13] =	ssyncset.done @!p0 $0x0  }
0x14: {  	[sflag:s13] =	ssyncadd.s32 @!p0 $0xFFFFB1E0  }
0x15: {  	[bflag:$0x0] =	sbarrier.arrive $0xFFFF  }
0x16: {  	[tilespmem:s2], [sflag:$0x1] =	stream.linear.gather [hbm4b:s8+s2], $0x1388, $0x38;
	[tilespmem:$0x17318] =	vst v63  }
0x17: {  	_ =	swait.ge [sflag:s5], $0x1388  }
0x18: {  	[sflag:s5] =	ssyncset.done $0x0  }
0x19: {  	[sflag:s5] =	ssyncadd.s32 $0xFFFFEC78  }
0x1a: {  	[tilespmem:s10], [sflag:$0x1] =	stream.linear.gather [hbm4b:s6+s2], $0x13880, $0x38;
	[tilespmem:$0x17318] =	vst v63  }
0x1b: {  	_ =	swait.ge [sflag:s5], $0x13880  }
0x1c: {  	[sflag:s5] =	ssyncset.done $0x0  }
0x1d: {  	[sflag:s5] =	ssyncadd.s32 $0xFFFEC780  }
0x1e: {  	[spmem:s1] =	stream.indirect.scatter.add.f32 [tilespmem:s10], [sflag:$0x1], $0x10, s2, s10, $0xb8;
	[tilespmem:$0x17318] =	vst v63  }
0x1f: {  	s14 =	sadd.s32 $0xFFFFFFFF, s14;
	_ =	swait.ge [sflag:s5], $0x13880  }
0x20: {  	p2 =	sne.s32 s14, $0x0;
	[sflag:s5] =	ssyncset.done $0x0  }
.Ltmp1:
0x21: {  	[sflag:s5] =	ssyncadd.s32 $0xFFFEC780;
	(pc) =	sbr.rel @!p2 .LBB2_3-.Ltmp1, $4  }
0x22: {  	[bflag:$0x0] =	sbarrier.arrive $0xFFFF  }
0x23: {  	[hbm:s4], [sflag:s7] =	dma.local [spmem:s9], $0x4E2  }
0x24: {  	_ =	swait.ge [sflag:s5], $0x4E2  }
0x25: {  	p1 =	por $0x1, $0x1;
	[sflag:s5] =	ssyncset.done $0x0  }
.LBB2_2:
0x26: {  	[sflag:s5] =	ssyncadd.s32 $0xFFFFFB1E  }
0x27: {  	[spmem:s11], [sflag:s12] =	dma.local @!p0 [hbm:s3], $0x4E20  }
0x28: {  	s14 =	sadd.s32 $0xFFFFFFFF, s14;
	_ =	swait.ge @!p0 [sflag:s13], $0x4E20  }
0x29: {  	p2 =	sne.s32 s14, $0x0;
	[sflag:s13] =	ssyncset.done @!p0 $0x0  }
0x2a: {  	[sflag:s13] =	ssyncadd.s32 @!p0 $0xFFFFB1E0  }
0x2b: {  	[bflag:$0x0] =	sbarrier.arrive $0xFFFF  }
0x2c: {  	[tilespmem:s2], [sflag:$0x1] =	stream.linear.gather [hbm4b:s8+s2], $0x1388, $0x38;
	[tilespmem:$0x17318] =	vst v63  }
0x2d: {  	_ =	swait.ge [sflag:s5], $0x1388  }
0x2e: {  	[sflag:s5] =	ssyncset.done $0x0  }
0x2f: {  	[sflag:s5] =	ssyncadd.s32 $0xFFFFEC78  }
0x30: {  	[tilespmem:s10], [sflag:$0x1] =	stream.linear.gather [hbm4b:s6+s2], $0x13880, $0x38;
	[tilespmem:$0x17318] =	vst v63  }
0x31: {  	_ =	swait.ge [sflag:s5], $0x13880  }
0x32: {  	[sflag:s5] =	ssyncset.done $0x0  }
0x33: {  	[sflag:s5] =	ssyncadd.s32 $0xFFFEC780  }
0x34: {  	[spmem:s1] =	stream.indirect.scatter.add.f32 [tilespmem:s10], [sflag:$0x1], $0x10, s2, s10, $0xb8;
	[tilespmem:$0x17318] =	vst v63  }
0x35: {  	_ =	swait.ge [sflag:s5], $0x13880  }
0x36: {  	[sflag:s5] =	ssyncset.done $0x0  }
.Ltmp2:
0x37: {  	[sflag:s5] =	ssyncadd.s32 $0xFFFEC780;
	(pc) =	sbr.rel @p2 .LBB2_2-.Ltmp2, $4  }
0x38: {  	[bflag:$0x0] =	sbarrier.arrive $0xFFFF  }
0x39: {  	[hbm:s4], [sflag:s7] =	dma.local [spmem:s9], $0x4E2  }
0x3a: {  	_ =	swait.ge [sflag:s5], $0x4E2  }
0x3b: {  	[sflag:s5] =	ssyncset.done $0x0  }
.LBB2_3:
0x3c: {  	s12 =	simm.s32 @!p0 $0x1C01;
	s13 =	simm.s32 @!p0 $0x1;
	[sflag:s5] =	ssyncadd.s32 @p1 $0xFFFFFB1E  }
0x3d: {  	[spmem:s11], [sflag:s12] =	dma.local @!p0 [hbm:s3], $0x4E20  }
0x3e: {  	_ =	swait.ge @!p0 [sflag:s13], $0x4E20  }
0x3f: {  	[sflag:s13] =	ssyncset.done @!p0 $0x0  }
0x40: {  	[sflag:s13] =	ssyncadd.s32 @!p0 $0xFFFFB1E0  }
0x41: {  	[bflag:$0x0] =	sbarrier.arrive $0xFFFF  }
0x42: {  	[tilespmem:s2], [sflag:$0x1] =	stream.linear.gather [hbm4b:s8+s2], $0x1388, $0x38;
	[tilespmem:$0x17318] =	vst v63  }
0x43: {  	_ =	swait.ge [sflag:s5], $0x1388  }
0x44: {  	[sflag:s5] =	ssyncset.done $0x0  }
0x45: {  	[sflag:s5] =	ssyncadd.s32 $0xFFFFEC78  }
0x46: {  	[tilespmem:s10], [sflag:$0x1] =	stream.linear.gather [hbm4b:s6+s2], $0x13880, $0x38;
	[tilespmem:$0x17318] =	vst v63  }
0x47: {  	_ =	swait.ge [sflag:s5], $0x13880  }
0x48: {  	[sflag:s5] =	ssyncset.done $0x0  }
0x49: {  	[sflag:s5] =	ssyncadd.s32 $0xFFFEC780  }
0x4a: {  	[spmem:s1] =	stream.indirect.scatter.add.f32 [tilespmem:s10], [sflag:$0x1], $0x10, s2, s10, $0xb8;
	[tilespmem:$0x17318] =	vst v63  }
0x4b: {  	_ =	swait.ge [sflag:s5], $0x13880  }
0x4c: {  	[sflag:s5] =	ssyncset.done $0x0  }
0x4d: {  	[sflag:s5] =	ssyncadd.s32 $0xFFFEC780  }
0x4e: {  	[bflag:$0x0] =	sbarrier.arrive $0xFFFF  }
0x4f: {  	[hbm:s4], [sflag:s7] =	dma.local [spmem:s9], $0x4E2  }
0x50: {  	_ =	swait.ge [sflag:s5], $0x4E2  }
0x51: {  	[sflag:s5] =	ssyncset.done $0x0  }
0x52: {  	[sflag:s5] =	ssyncadd.s32 $0xFFFFFB1E  }
0x53: {  	_ =	sfence.sel $0x180000  }
0x54: {  	[bflag:$0x0] =	sbarrier.arrive $0xFFFF  }
0x55: {  	_ =	strace $0x9000004D  }
0x56: {  	s0 =	sadd.s32 @!p0 $0x100000, s0;
	[bflag:$0x2] =	sbarrier.arrive $0xFFFF  }
0x57: {  	[sflag:s0] =	ssyncadd.tile.s32 @!p0 $0x1;
	_ =	shalt  }
.Lfunc_end2:
_tile_overlayer_lowered:
.L_overlay_start_2:
0x58: {  	(tag) =	ssettag $0x2  }
0x59: {  	s0 =	rddreg [dreg:$0x0];
	s2 =	stileid.u32  }
0x5a: {  	s1 =	rddreg [dreg:$0x1];
	p0 =	sne.s32 s2, $0x0  }
0x5b: {  	s3 =	rddreg [dreg:$0x2];
	[bflag:$0x3] =	sbarrier.arrive $0xFFFF;
	s2 =	simm.s32 @!p0 $0x1C01  }
0x5c: {  	[timem:s3], [sflag:s2] =	dma.local @!p0 [hbm:s0], s1  }
0x5d: {  	s0 =	simm.s32 @!p0 $0x1  }
0x5e: {  	_ =	swait.ge @!p0 [sflag:s0], s1  }
0x5f: {  	s1 =	ssub.s32 @!p0 $0x0, s1;
	[sflag:s0] =	ssyncset.done @!p0 $0x0  }
0x60: {  	[sflag:s0] =	ssyncadd.s32 @!p0 s1  }
0x61: {  	[bflag:$0x3] =	sbarrier.arrive $0xFFFF  }
0x62: {  	_ =	shalt  }

// kernel: kernel.21.cloned.1.call-start
scs
__scs_entry_jumppad:
0x0: {  	(pc) =	sbr.rel $0x88, $3  }
0x1: {  	(tag) =	ssettag $0x0;
	lr =	simm.s32 $0x1  }
0x2: {  	[smem:$0x3F8A] =	sst lr;
	_ =	strace $0xD0000000  }
0x3: {  	_ = 	snop  }
0x4: {  	_ = 	snop  }
0x5: {  	_ = 	snop  }
0x6: {  	_ = 	snop  }
0x7: {  	_ = 	snop  }
__scs_overlays_trampoline_lowered:
0x8: {  	[smem:$0x3F99] =	sst s0  }
0x9: {  	[smem:$0x3F9A] =	sst s1  }
0xa: {  	[smem:$0x3F9B] =	sst s2  }
0xb: {  	[smem:$0x3F9C] =	sst s3  }
0xc: {  	[smem:$0x3F9D] =	sst s4  }
0xd: {  	[smem:$0x3F9E] =	sst s5  }
0xe: {  	[smem:$0x3F9F] =	sst s6  }
0xf: {  	[smem:$0x3FA0] =	sst s7  }
0x10: {  	[smem:$0x3FA1] =	sst s8  }
0x11: {  	[smem:$0x3FA2] =	sst s9;
	s0 =	simm.s32 @!p0 $0x0  }
0x12: {  	s1 =	sld [smem:$0x3F88];
	s0 =	simm.s32 @p0 $0x1  }
0x13: {  	[smem:$0x3FA3] =	sst s0;
	s0 =	simm.s32 @!p1 $0x0  }
0x14: {  	s2 =	sld [smem:$0x3F87];
	s0 =	simm.s32 @p1 $0x1  }
0x15: {  	[smem:$0x3FA4] =	sst s0;
	s0 =	simm.s32 @!p2 $0x0  }
0x16: {  	s3 =	sld [smem:$0x3FDB];
	s0 =	simm.s32 @p2 $0x1  }
0x17: {  	s4 =	simm.s32 $0x1BF5;
	[smem:$0x3FA6] =	sst s0  }
0x18: {  	s0 =	sld [smem:$0x3F89];
	_ =	swait.ge [sflag:s4], $0x0  }
0x19: {  	s7 =	sld [smem:$0x3F8A]  }
0x1a: {  	s8 =	sadd.s32 $0xFFFFE003, lr  }
0x1b: {  	s9 =	sadd.s32 $0xFFFFFEF7, lr;
	s5 =	simm.s32 $0xFFFFFFFF;
	p2 =	slt.u32 s8, $0xFFFFF086  }
0x1c: {  	p1 =	slt.u32 s9, $0xF7A;
	s5 =	simm.s32 @!p2 $0x0  }
0x1d: {  	s5 =	simm.s32 @p1 $0x1;
	p0 =	seq.s32 s7, s2  }
0x1e: {  	s7 =	smul.u32 @!p0 $0xF7A, s2;
	p2 =	seq.s32 @!p0 s5, $0x0  }
0x1f: {  	s9 =	smul.u32 $0xF7A, s1;
	s8 =	simm.s32 @!p0 $0x1BF5;
	p2 =	por !p2, p0  }
0x20: {  	[sflag:s8] =	ssyncset.s32 @!p0 $0xFFFFF086;
	s6 =	sadd.s32 @!p0 s3, s7;
	s7 =	simm.s32 @!p0 $0x108  }
0x21: {  	s3 =	sadd.s32 s3, s9;
	s6 =	sadd.s32 @!p0 $0x88, s6;
	s7 =	simm.s32 @p2 $0x1082  }
0x22: {  	[simem:s7], [sflag:s8] =	dma.local @!p0 [hbm:s6], $0xF7A  }
0x23: {  	s9 =	sor.u32 $0xD0000000, s2;
	s6 =	simm.s32 $0x108;
	_ =	swait.ge @!p0 [sflag:s8], $0x0  }
0x24: {  	s3 =	sadd.s32 $0x88, s3;
	s6 =	simm.s32 @!p1 $0x1082;
	[sflag:s4] =	ssyncset.s32 $0xFFFFF086  }
0x25: {  	[simem:s6], [sflag:s4] =	dma.local [hbm:s3], $0xF7A  }
0x26: {  	[smem:$0x3F8A] =	sst s1;
	(tag) =	ssettag s2;
	_ =	strace s9  }
0x27: {  	s1 =	sld [smem:$0x3F9A]  }
0x28: {  	s2 =	sld [smem:$0x3F9B]  }
0x29: {  	s4 =	sld [smem:$0x3F9D]  }
0x2a: {  	p0 =	seq.s32 s5, $0x0;
	s5 =	sld [smem:$0x3F9E]  }
0x2b: {  	s6 =	sld [smem:$0x3F9F]  }
0x2c: {  	s7 =	sld [smem:$0x3FA0]  }
0x2d: {  	s3 =	simm.s32 $0x108;
	s8 =	sld [smem:$0x3FA1]  }
0x2e: {  	s3 =	simm.s32 @!p0 $0x1082;
	s9 =	sld [smem:$0x3FA2]  }
0x2f: {  	lr =	sadd.s32 s0, s3;
	s0 =	sld [smem:$0x3F99]  }
0x30: {  	s3 =	sld [smem:$0x3F9C]  }
0x31: {  	[smem:$0x3FA5] =	sst s10  }
0x32: {  	s10 =	sld [smem:$0x3FA3];
	_ =	sdelay $0x3  }
0x33: {  	p0 =	seq.s32 s10, $0x1;
	s10 =	sld [smem:$0x3FA5];
	_ =	sdelay $0x3  }
0x34: {  	[smem:$0x3FA5] =	sst s10  }
0x35: {  	s10 =	sld [smem:$0x3FA4];
	_ =	sdelay $0x3  }
0x36: {  	p1 =	seq.s32 s10, $0x1;
	s10 =	sld [smem:$0x3FA5];
	_ =	sdelay $0x3  }
0x37: {  	[smem:$0x3FA5] =	sst s10  }
0x38: {  	s10 =	sld [smem:$0x3FA6]  }
0x39: {  	_ = 	snop;
	(pc) =	sbr.ind lr, $3  }
0x3a: {  	_ = 	snop  }
0x3b: {  	_ = 	snop  }
0x3c: {  	p2 =	seq.s32 s10, $0x1;
	s10 =	sld [smem:$0x3FA5]  }
0x3d: {  	_ =	shalt  }
0x3e: {  	_ =	shalt  }
0x3f: {  	_ =	shalt  }
0x40: {  	_ =	shalt  }
0x41: {  	_ =	shalt  }
0x42: {  	_ =	shalt  }
0x43: {  	_ =	shalt  }
0x44: {  	_ =	shalt  }
0x45: {  	_ =	shalt  }
0x46: {  	_ =	shalt  }
0x47: {  	_ =	shalt  }
0x48: {  	_ =	shalt  }
0x49: {  	_ =	shalt  }
0x4a: {  	_ =	shalt  }
0x4b: {  	_ =	shalt  }
0x4c: {  	_ =	shalt  }
0x4d: {  	_ =	shalt  }
0x4e: {  	_ =	shalt  }
0x4f: {  	_ =	shalt  }
0x50: {  	_ =	shalt  }
0x51: {  	_ =	shalt  }
0x52: {  	_ =	shalt  }
0x53: {  	_ =	shalt  }
0x54: {  	_ =	shalt  }
0x55: {  	_ =	shalt  }
0x56: {  	_ =	shalt  }
0x57: {  	_ =	shalt  }
0x58: {  	_ =	shalt  }
0x59: {  	_ =	shalt  }
0x5a: {  	_ =	shalt  }
0x5b: {  	_ =	shalt  }
0x5c: {  	_ =	shalt  }
0x5d: {  	_ =	shalt  }
0x5e: {  	_ =	shalt  }
0x5f: {  	_ =	shalt  }
0x60: {  	_ =	shalt  }
0x61: {  	_ =	shalt  }
0x62: {  	_ =	shalt  }
0x63: {  	_ =	shalt  }
0x64: {  	_ =	shalt  }
0x65: {  	_ =	shalt  }
0x66: {  	_ =	shalt  }
0x67: {  	_ =	shalt  }
0x68: {  	_ =	shalt  }
0x69: {  	_ =	shalt  }
0x6a: {  	_ =	shalt  }
0x6b: {  	_ =	shalt  }
0x6c: {  	_ =	shalt  }
0x6d: {  	_ =	shalt  }
0x6e: {  	_ =	shalt  }
0x6f: {  	_ =	shalt  }
0x70: {  	_ =	shalt  }
0x71: {  	_ =	shalt  }
0x72: {  	_ =	shalt  }
0x73: {  	_ =	shalt  }
0x74: {  	_ =	shalt  }
0x75: {  	_ =	shalt  }
0x76: {  	_ =	shalt  }
0x77: {  	_ =	shalt  }
0x78: {  	_ =	shalt  }
0x79: {  	_ =	shalt  }
0x7a: {  	_ =	shalt  }
0x7b: {  	_ =	shalt  }
0x7c: {  	_ =	shalt  }
0x7d: {  	_ =	shalt  }
0x7e: {  	_ =	shalt  }
0x7f: {  	_ =	shalt  }
0x80: {  	_ =	shalt  }
0x81: {  	_ =	shalt  }
0x82: {  	_ =	shalt  }
0x83: {  	_ =	shalt  }
0x84: {  	_ =	shalt  }
0x85: {  	_ =	shalt  }
0x86: {  	_ =	shalt  }
0x87: {  	_ =	shalt  }
.Lfunc_end0:
.L_simem_size_0:
called_computation.3_lowered:
.L_overlay_start_0:
0x88: {  	s2 =	sld [smem:$0x3FD9]  }
0x89: {  	s3 =	sld [smem:$0x3FFE];
	_ =	sdelay $0x1  }
0x8a: {  	s1 =	srdreg.scid  }
0x8b: {  	s0 =	sand.u32 $0x1, s1  }
0x8c: {  	s16 =	sshll.u32 s0, $0xA;
	s2 =	sadd.s32 s3, s2  }
0x8d: {  	s2 =	sadd.s32 s2, s16  }
0x8e: {  	[smem:$0x3FB1] =	sst s2  }
0x8f: {  	_ = 	snop  }
0x90: {  	(tm) =	ssettm $0x1  }
0x91: {  	s17 =	sld [smem:$0x3FFB];
	_ =	sdelay $0x3  }
0x92: {  	_ =	strace s17  }
0x93: {  	s2 =	sld [smem:$0x3FFC];
	_ =	sdelay $0x3  }
0x94: {  	_ =	strace s2  }
0x95: {  	s2 =	sld [smem:$0x3FFD];
	_ =	sdelay $0x3  }
0x96: {  	_ =	strace s2  }
0x97: {  	_ =	strace $0x8FFFFFFF  }
0x98: {  	s18 =	sld [smem:$0x3FDB];
	_ =	sdelay $0x1  }
0x99: {  	s19 =	simm.s32 $_scs_section_size  }
0x9a: {  	s4 =	simm.s32 $_size__tile_overlayer_lowered;
	s5 =	simm.s32 $_tile_overlayer_lowered  }
0x9b: {  	s22 =	simm.s32 $0x1BFF;
	s21 =	sshll.u32 s5, $0x1;
	s2 =	sadd.s32 s19, s18  }
0x9c: {  	s6 =	simm.s32 $0x0;
	s20 =	sshll.u32 s4, $0x1;
	s4 =	sadd.s32 s21, s2  }
0x9d: {  	[timem:s6], [sflag:s22] =	dma.local [hbm:s4], s20  }
0x9e: {  	_ =	swait.ge [sflag:s22], s20  }
0x9f: {  	s3 =	ssub.s32 $0x0, s20;
	[sflag:s22] =	ssyncset.done $0x0  }
0xa0: {  	[sflag:s22] =	ssyncadd.s32 s3;
	_ =	sdelay $0x1  }
0xa1: {  	s23 =	simm.s32 $0x1B8B  }
0xa2: {  	_ =	swait.ge [sflag:s23], $0x1  }
0xa3: {  	[sflag:s23] =	ssyncset.done $0x0  }
0xa4: {  	s25 =	simm.s32 $0x1B8E;
	s24 =	sld [smem:$0x3FFE];
	[sflag:s23] =	ssyncadd.s32 $0xFFFFFFFF  }
0xa5: {  	s26 =	simm.s32 $execute0_lowered;
	[smem:$0x3FD2] =	sst s25  }
0xa6: {  	s4 =	sshll.u32 s26, $0x1;
	_ =	strace $0x8000004F;
	[dreg:$0x1] =	wrdreg $0xFFFFFFFF  }
0xa7: {  	s28 =	simm.s32 $_size_execute0_lowered;
	s2 =	sadd.s32 s2, s4;
	[dreg:$0x0] =	wrdreg $0x0  }
0xa8: {  	s4 =	sshll.u32 s28, $0x1;
	[dreg:$0x2] =	wrdreg s2  }
0xa9: {  	[dreg:$0x3] =	wrdreg s4  }
0xaa: {  	[dreg:$0x4] =	wrdreg $0xC0  }
0xab: {  	_ =	task [dreg:s6], $0x5FFFF  }
0xac: {  	[dreg:$0x1] =	wrdreg $0xFFFFFFFF  }
0xad: {  	[dreg:$0x0] =	wrdreg $0x60  }
0xae: {  	[dreg:$0x2] =	wrdreg s24  }
0xaf: {  	[dreg:$0x3] =	wrdreg $0x9  }
0xb0: {  	_ =	task.clear_ibuf [dreg:s6], $0x4FFFF;
	_ =	strace $0x9000004F  }
0xb1: {  	s29 =	simm.s32 $0x9;
	_ =	strace $0x80000051  }
0xb2: {  	_ =	swait.ge [sflag:s29], $0x1  }
0xb3: {  	[sflag:s29] =	ssyncadd.s32 $0xFFFFFFFF  }
0xb4: {  	_ =	strace $0x90000051  }
0xb5: {  	_ =	sfence  }
0xb6: {  	s30 =	sld [smem:$0x0];
	_ =	sdelay $0x2  }
0xb7: {  	s31 =	sshll.u32 s1, $0xD;
	s1 =	sshrl.u32 s1, $0x2  }
0xb8: {  	s3 =	sand.u32 $0x4000, s31;
	s1 =	sadd.s32 s1, s30  }
0xb9: {  	s0 =	sor.u32 s3, s0;
	s1 =	sshll.u32 s1, $0x11  }
0xba: {  	s0 =	sor.u32 s1, s0  }
0xbb: {  	s0 =	sadd.s32 $0x8F2B, s0  }
0xbc: {  	[sflag:s0] =	ssyncadd.remote.s32 $0x1  }
0xbd: {  	_ =	sfence.sel $0xFFFF  }
0xbe: {  	[dreg:$0x0] =	wrdreg $0xFFFFFFFF;
	(pc) =	sbr.abs _section_cstart, $3  }
0xbf: {  	[dreg:$0x1] =	wrdreg $0xFFFFFFFF  }
0xc0: {  	_ =	task.clear_ibuf [dreg:s6], $0x2FFFF;
	_ =	strace $0x9FFFFFFF  }
0xc1: {  	(tm) =	ssettm $0x7FFFFFFF  }
tec
execute0_lowered:
.L_overlay_start_1:
0x0: {  	(tag) =	ssettag $0x1  }
0x1: {  	s1 =	srdreg.scid;
	s0 =	stileid.u32  }
0x2: {  	s6 =	sand.u32 $0x1, s1;
	s30 =	sshll.u32 s0, $0x1  }
0x3: {  	s8 =	rddreg [dreg:$0x0];
	s7 =	sor.u32 s6, s30  }
0x4: {  	s2 =	simm.s32 $0x0;
	s1 =	rddreg [dreg:$0x1];
	s3 =	smul.u32 $0x271, s7  }
0x5: {  	[smem:$0x7FF] =	sst s2;
	s5 =	sadd.s32 $0xE400, s8  }
0x6: {  	_ =	strace $0x80000050;
	s10 =	ssub.s32 $0x2, s6;
	s3 =	sadd.s32 s3, s8  }
0x7: {  	s6 =	simm.s32 $0x1388;
	s4 =	sadd.s32 $0x4600, s3;
	s3 =	simm.s32 $0x2  }
0x8: {  	[tilespmem:s2], [sflag:$0x2] =	stream.linear.gather [hbm4b:s4+s2], $0x1388, $0x38;
	[tilespmem:$0x14C08] =	vst v63  }
0x9: {  	s9 =	smul.u32 $0x2710, s7;
	s11 =	sshrl.u32 s10, $0x1;
	_ =	swait.ge [sflag:s3], $0x1388  }
0xa: {  	s7 =	simm.s32 $0x1;
	s31 =	ssub.s32 s10, s11;
	[sflag:s3] =	ssyncset.done $0x0  }
0xb: {  	s8 =	sadd.s32 s9, s8;
	s9 =	smax.u32 s31, $0x1;
	[sflag:s3] =	ssyncadd.s32 $0xFFFFEC78  }
0xc: {  	[tilespmem:s6], [sflag:$0x1] =	stream.indirect.gather [hbm4b:s5+s6], $0x10, s2, s6, $0xb8;
	[tilespmem:$0x14C08] =	vst v63  }
0xd: {  	p0 =	sne.s32 s9, $0x1;
	_ =	swait.ge [sflag:s7], $0x13880  }
.Ltmp0:
0xe: {  	[sflag:s7] =	ssyncset.done $0x0;
	(pc) =	sbr.rel @!p0 .LBB2_2-.Ltmp0, $4  }
0xf: {  	s8 =	sadd.s32 $0x13400, s8;
	[sflag:s7] =	ssyncadd.s32 $0xFFFEC780  }
0x10: {  	[hbm4b:s8+s2] =	stream.linear.scatter [tilespmem:s6], [sflag:$0x2], $0x13880, $0x38;
	[tilespmem:$0x14C08] =	vst v63  }
0x11: {  	_ =	swait.ge [sflag:s3], $0x13880  }
0x12: {  	s9 =	sadd.s32 $0xFFFFFFFF, s9;
	[sflag:s3] =	ssyncset.done $0x0  }
.LBB2_1:
0x13: {  	p0 =	sne.s32 s9, $0x1;
	s9 =	sadd.s32 $0xFFFFFFFF, s9;
	[sflag:s3] =	ssyncadd.s32 $0xFFFEC780  }
0x14: {  	[tilespmem:s2], [sflag:$0x2] =	stream.linear.gather [hbm4b:s4+s2], $0x1388, $0x38;
	[tilespmem:$0x14C08] =	vst v63  }
0x15: {  	_ =	swait.ge [sflag:s3], $0x1388  }
0x16: {  	[sflag:s3] =	ssyncset.done $0x0  }
0x17: {  	[sflag:s3] =	ssyncadd.s32 $0xFFFFEC78  }
0x18: {  	[tilespmem:s6], [sflag:$0x1] =	stream.indirect.gather [hbm4b:s5+s6], $0x10, s2, s6, $0xb8;
	[tilespmem:$0x14C08] =	vst v63  }
0x19: {  	_ =	swait.ge [sflag:s7], $0x13880  }
.Ltmp1:
0x1a: {  	[sflag:s7] =	ssyncset.done $0x0;
	(pc) =	sbr.rel @p0 .LBB2_1-.Ltmp1, $4  }
0x1b: {  	[sflag:s7] =	ssyncadd.s32 $0xFFFEC780  }
0x1c: {  	[hbm4b:s8+s2] =	stream.linear.scatter [tilespmem:s6], [sflag:$0x2], $0x13880, $0x38;
	[tilespmem:$0x14C08] =	vst v63  }
0x1d: {  	_ =	swait.ge [sflag:s3], $0x13880  }
0x1e: {  	[sflag:s3] =	ssyncset.done $0x0  }
.LBB2_2:
0x1f: {  	[sflag:s3] =	ssyncadd.s32 $0xFFFEC780  }
0x20: {  	_ =	sfence.sel $0x180000  }
0x21: {  	[bflag:$0x0] =	sbarrier.arrive $0xFFFF  }
0x22: {  	p0 =	sne.s32 s0, $0x0;
	_ =	strace $0x90000050  }
0x23: {  	s0 =	sadd.s32 @!p0 $0x100000, s1;
	[bflag:$0x2] =	sbarrier.arrive $0xFFFF  }
0x24: {  	[sflag:s0] =	ssyncadd.tile.s32 @!p0 $0x1;
	_ =	shalt  }
.Lfunc_end2:
_tile_overlayer_lowered:
.L_overlay_start_2:
0x25: {  	(tag) =	ssettag $0x2  }
0x26: {  	s0 =	rddreg [dreg:$0x0];
	s2 =	stileid.u32  }
0x27: {  	s1 =	rddreg [dreg:$0x1];
	p0 =	sne.s32 s2, $0x0  }
0x28: {  	s3 =	rddreg [dreg:$0x2];
	[bflag:$0x3] =	sbarrier.arrive $0xFFFF;
	s2 =	simm.s32 @!p0 $0x1C02  }
0x29: {  	[timem:s3], [sflag:s2] =	dma.local @!p0 [hbm:s0], s1  }
0x2a: {  	s0 =	simm.s32 @!p0 $0x2  }
0x2b: {  	_ =	swait.ge @!p0 [sflag:s0], s1  }
0x2c: {  	s1 =	ssub.s32 @!p0 $0x0, s1;
	[sflag:s0] =	ssyncset.done @!p0 $0x0  }
0x2d: {  	[sflag:s0] =	ssyncadd.s32 @!p0 s1  }
0x2e: {  	[bflag:$0x3] =	sbarrier.arrive $0xFFFF  }
0x2f: {  	_ =	shalt  }

// kernel: kernel.24.cloned.1.call-start
scs
__scs_entry_jumppad:
0x0: {  	(pc) =	sbr.rel $0x88, $3  }
0x1: {  	(tag) =	ssettag $0x0;
	lr =	simm.s32 $0x1  }
0x2: {  	[smem:$0x3F8A] =	sst lr;
	_ =	strace $0xD0000000  }
0x3: {  	_ = 	snop  }
0x4: {  	_ = 	snop  }
0x5: {  	_ = 	snop  }
0x6: {  	_ = 	snop  }
0x7: {  	_ = 	snop  }
__scs_overlays_trampoline_lowered:
0x8: {  	[smem:$0x3F99] =	sst s0  }
0x9: {  	[smem:$0x3F9A] =	sst s1  }
0xa: {  	[smem:$0x3F9B] =	sst s2  }
0xb: {  	[smem:$0x3F9C] =	sst s3  }
0xc: {  	[smem:$0x3F9D] =	sst s4  }
0xd: {  	[smem:$0x3F9E] =	sst s5  }
0xe: {  	[smem:$0x3F9F] =	sst s6  }
0xf: {  	[smem:$0x3FA0] =	sst s7  }
0x10: {  	[smem:$0x3FA1] =	sst s8  }
0x11: {  	[smem:$0x3FA2] =	sst s9;
	s0 =	simm.s32 @!p0 $0x0  }
0x12: {  	s1 =	sld [smem:$0x3F88];
	s0 =	simm.s32 @p0 $0x1  }
0x13: {  	[smem:$0x3FA3] =	sst s0;
	s0 =	simm.s32 @!p1 $0x0  }
0x14: {  	s2 =	sld [smem:$0x3F87];
	s0 =	simm.s32 @p1 $0x1  }
0x15: {  	[smem:$0x3FA4] =	sst s0;
	s0 =	simm.s32 @!p2 $0x0  }
0x16: {  	s3 =	sld [smem:$0x3FDB];
	s0 =	simm.s32 @p2 $0x1  }
0x17: {  	s4 =	simm.s32 $0x1BF5;
	[smem:$0x3FA6] =	sst s0  }
0x18: {  	s0 =	sld [smem:$0x3F89];
	_ =	swait.ge [sflag:s4], $0x0  }
0x19: {  	s7 =	sld [smem:$0x3F8A]  }
0x1a: {  	s8 =	sadd.s32 $0xFFFFE003, lr  }
0x1b: {  	s9 =	sadd.s32 $0xFFFFFEF7, lr;
	s5 =	simm.s32 $0xFFFFFFFF;
	p2 =	slt.u32 s8, $0xFFFFF086  }
0x1c: {  	p1 =	slt.u32 s9, $0xF7A;
	s5 =	simm.s32 @!p2 $0x0  }
0x1d: {  	s5 =	simm.s32 @p1 $0x1;
	p0 =	seq.s32 s7, s2  }
0x1e: {  	s7 =	smul.u32 @!p0 $0xF7A, s2;
	p2 =	seq.s32 @!p0 s5, $0x0  }
0x1f: {  	s9 =	smul.u32 $0xF7A, s1;
	s8 =	simm.s32 @!p0 $0x1BF5;
	p2 =	por !p2, p0  }
0x20: {  	[sflag:s8] =	ssyncset.s32 @!p0 $0xFFFFF086;
	s6 =	sadd.s32 @!p0 s3, s7;
	s7 =	simm.s32 @!p0 $0x108  }
0x21: {  	s3 =	sadd.s32 s3, s9;
	s6 =	sadd.s32 @!p0 $0x88, s6;
	s7 =	simm.s32 @p2 $0x1082  }
0x22: {  	[simem:s7], [sflag:s8] =	dma.local @!p0 [hbm:s6], $0xF7A  }
0x23: {  	s9 =	sor.u32 $0xD0000000, s2;
	s6 =	simm.s32 $0x108;
	_ =	swait.ge @!p0 [sflag:s8], $0x0  }
0x24: {  	s3 =	sadd.s32 $0x88, s3;
	s6 =	simm.s32 @!p1 $0x1082;
	[sflag:s4] =	ssyncset.s32 $0xFFFFF086  }
0x25: {  	[simem:s6], [sflag:s4] =	dma.local [hbm:s3], $0xF7A  }
0x26: {  	[smem:$0x3F8A] =	sst s1;
	(tag) =	ssettag s2;
	_ =	strace s9  }
0x27: {  	s1 =	sld [smem:$0x3F9A]  }
0x28: {  	s2 =	sld [smem:$0x3F9B]  }
0x29: {  	s4 =	sld [smem:$0x3F9D]  }
0x2a: {  	p0 =	seq.s32 s5, $0x0;
	s5 =	sld [smem:$0x3F9E]  }
0x2b: {  	s6 =	sld [smem:$0x3F9F]  }
0x2c: {  	s7 =	sld [smem:$0x3FA0]  }
0x2d: {  	s3 =	simm.s32 $0x108;
	s8 =	sld [smem:$0x3FA1]  }
0x2e: {  	s3 =	simm.s32 @!p0 $0x1082;
	s9 =	sld [smem:$0x3FA2]  }
0x2f: {  	lr =	sadd.s32 s0, s3;
	s0 =	sld [smem:$0x3F99]  }
0x30: {  	s3 =	sld [smem:$0x3F9C]  }
0x31: {  	[smem:$0x3FA5] =	sst s10  }
0x32: {  	s10 =	sld [smem:$0x3FA3];
	_ =	sdelay $0x3  }
0x33: {  	p0 =	seq.s32 s10, $0x1;
	s10 =	sld [smem:$0x3FA5];
	_ =	sdelay $0x3  }
0x34: {  	[smem:$0x3FA5] =	sst s10  }
0x35: {  	s10 =	sld [smem:$0x3FA4];
	_ =	sdelay $0x3  }
0x36: {  	p1 =	seq.s32 s10, $0x1;
	s10 =	sld [smem:$0x3FA5];
	_ =	sdelay $0x3  }
0x37: {  	[smem:$0x3FA5] =	sst s10  }
0x38: {  	s10 =	sld [smem:$0x3FA6]  }
0x39: {  	_ = 	snop;
	(pc) =	sbr.ind lr, $3  }
0x3a: {  	_ = 	snop  }
0x3b: {  	_ = 	snop  }
0x3c: {  	p2 =	seq.s32 s10, $0x1;
	s10 =	sld [smem:$0x3FA5]  }
0x3d: {  	_ =	shalt  }
0x3e: {  	_ =	shalt  }
0x3f: {  	_ =	shalt  }
0x40: {  	_ =	shalt  }
0x41: {  	_ =	shalt  }
0x42: {  	_ =	shalt  }
0x43: {  	_ =	shalt  }
0x44: {  	_ =	shalt  }
0x45: {  	_ =	shalt  }
0x46: {  	_ =	shalt  }
0x47: {  	_ =	shalt  }
0x48: {  	_ =	shalt  }
0x49: {  	_ =	shalt  }
0x4a: {  	_ =	shalt  }
0x4b: {  	_ =	shalt  }
0x4c: {  	_ =	shalt  }
0x4d: {  	_ =	shalt  }
0x4e: {  	_ =	shalt  }
0x4f: {  	_ =	shalt  }
0x50: {  	_ =	shalt  }
0x51: {  	_ =	shalt  }
0x52: {  	_ =	shalt  }
0x53: {  	_ =	shalt  }
0x54: {  	_ =	shalt  }
0x55: {  	_ =	shalt  }
0x56: {  	_ =	shalt  }
0x57: {  	_ =	shalt  }
0x58: {  	_ =	shalt  }
0x59: {  	_ =	shalt  }
0x5a: {  	_ =	shalt  }
0x5b: {  	_ =	shalt  }
0x5c: {  	_ =	shalt  }
0x5d: {  	_ =	shalt  }
0x5e: {  	_ =	shalt  }
0x5f: {  	_ =	shalt  }
0x60: {  	_ =	shalt  }
0x61: {  	_ =	shalt  }
0x62: {  	_ =	shalt  }
0x63: {  	_ =	shalt  }
0x64: {  	_ =	shalt  }
0x65: {  	_ =	shalt  }
0x66: {  	_ =	shalt  }
0x67: {  	_ =	shalt  }
0x68: {  	_ =	shalt  }
0x69: {  	_ =	shalt  }
0x6a: {  	_ =	shalt  }
0x6b: {  	_ =	shalt  }
0x6c: {  	_ =	shalt  }
0x6d: {  	_ =	shalt  }
0x6e: {  	_ =	shalt  }
0x6f: {  	_ =	shalt  }
0x70: {  	_ =	shalt  }
0x71: {  	_ =	shalt  }
0x72: {  	_ =	shalt  }
0x73: {  	_ =	shalt  }
0x74: {  	_ =	shalt  }
0x75: {  	_ =	shalt  }
0x76: {  	_ =	shalt  }
0x77: {  	_ =	shalt  }
0x78: {  	_ =	shalt  }
0x79: {  	_ =	shalt  }
0x7a: {  	_ =	shalt  }
0x7b: {  	_ =	shalt  }
0x7c: {  	_ =	shalt  }
0x7d: {  	_ =	shalt  }
0x7e: {  	_ =	shalt  }
0x7f: {  	_ =	shalt  }
0x80: {  	_ =	shalt  }
0x81: {  	_ =	shalt  }
0x82: {  	_ =	shalt  }
0x83: {  	_ =	shalt  }
0x84: {  	_ =	shalt  }
0x85: {  	_ =	shalt  }
0x86: {  	_ =	shalt  }
0x87: {  	_ =	shalt  }
.Lfunc_end0:
.L_simem_size_0:
called_computation.4_lowered:
.L_overlay_start_0:
0x88: {  	s2 =	sld [smem:$0x3FD9]  }
0x89: {  	s3 =	sld [smem:$0x3FFE];
	_ =	sdelay $0x1  }
0x8a: {  	s1 =	srdreg.scid  }
0x8b: {  	s0 =	sand.u32 $0x1, s1  }
0x8c: {  	s17 =	sshll.u32 s0, $0xA;
	s2 =	sadd.s32 s3, s2  }
0x8d: {  	s2 =	sadd.s32 s2, s17  }
0x8e: {  	[smem:$0x3FB1] =	sst s2  }
0x8f: {  	_ = 	snop  }
0x90: {  	s2 =	sld [smem:$0x3FD0];
	(tm) =	ssettm $0x1  }
0x91: {  	s18 =	sld [smem:$0x3FFB];
	_ =	sdelay $0x3  }
0x92: {  	_ =	strace s18  }
0x93: {  	s3 =	sld [smem:$0x3FFC];
	_ =	sdelay $0x3  }
0x94: {  	_ =	strace s3  }
0x95: {  	s3 =	sld [smem:$0x3FFD];
	_ =	sdelay $0x3  }
0x96: {  	_ =	strace s3  }
0x97: {  	_ =	strace $0x8FFFFFFF  }
0x98: {  	s19 =	sld [smem:$0x3FDB];
	_ =	sdelay $0x1  }
0x99: {  	s4 =	simm.s32 $_scs_section_size  }
0x9a: {  	s5 =	simm.s32 $_size__tile_overlayer_lowered;
	s6 =	simm.s32 $_tile_overlayer_lowered  }
0x9b: {  	s22 =	simm.s32 $0x1BFF;
	s21 =	sshll.u32 s6, $0x1;
	s3 =	sadd.s32 s4, s19  }
0x9c: {  	s7 =	simm.s32 $0x0;
	s20 =	sshll.u32 s5, $0x1;
	s5 =	sadd.s32 s21, s3  }
0x9d: {  	[timem:s7], [sflag:s22] =	dma.local [hbm:s5], s20  }
0x9e: {  	_ =	swait.ge [sflag:s22], s20  }
0x9f: {  	s4 =	ssub.s32 $0x0, s20;
	[sflag:s22] =	ssyncset.done $0x0  }
0xa0: {  	[sflag:s22] =	ssyncadd.s32 s4;
	_ =	sdelay $0x1  }
0xa1: {  	s23 =	simm.s32 $0x1B8B  }
0xa2: {  	_ =	swait.ge [sflag:s23], $0x1  }
0xa3: {  	[sflag:s23] =	ssyncset.done $0x0  }
0xa4: {  	s25 =	simm.s32 $0x1B8E;
	s24 =	sld [smem:$0x3FFE];
	[sflag:s23] =	ssyncadd.s32 $0xFFFFFFFF  }
0xa5: {  	s26 =	simm.s32 $execute0_lowered;
	[smem:$0x3FD2] =	sst s25  }
0xa6: {  	s5 =	sshll.u32 s26, $0x1;
	_ =	strace $0x80000052;
	[dreg:$0x1] =	wrdreg $0xFFFFFFFF  }
0xa7: {  	s28 =	simm.s32 $_size_execute0_lowered;
	s3 =	sadd.s32 s3, s5;
	[dreg:$0x0] =	wrdreg $0x0  }
0xa8: {  	s5 =	sshll.u32 s28, $0x1;
	[dreg:$0x2] =	wrdreg s3  }
0xa9: {  	[dreg:$0x3] =	wrdreg s5  }
0xaa: {  	[dreg:$0x4] =	wrdreg $0xC0  }
0xab: {  	_ =	task [dreg:s7], $0x5FFFF  }
0xac: {  	[dreg:$0x1] =	wrdreg $0xFFFFFFFF  }
0xad: {  	[dreg:$0x0] =	wrdreg $0x60  }
0xae: {  	[dreg:$0x2] =	wrdreg s24  }
0xaf: {  	[dreg:$0x3] =	wrdreg s2  }
0xb0: {  	[dreg:$0x4] =	wrdreg $0x14C080  }
0xb1: {  	[dreg:$0x5] =	wrdreg $0x9  }
0xb2: {  	_ =	task.clear_ibuf [dreg:s7], $0x6FFFF;
	_ =	strace $0x90000052  }
0xb3: {  	s29 =	simm.s32 $0x9;
	_ =	strace $0x80000054  }
0xb4: {  	_ =	swait.ge [sflag:s29], $0x1  }
0xb5: {  	[sflag:s29] =	ssyncadd.s32 $0xFFFFFFFF  }
0xb6: {  	_ =	strace $0x90000054  }
0xb7: {  	_ =	sfence  }
0xb8: {  	s30 =	sld [smem:$0x0];
	_ =	sdelay $0x2  }
0xb9: {  	s31 =	sshll.u32 s1, $0xD;
	s1 =	sshrl.u32 s1, $0x2  }
0xba: {  	s3 =	sand.u32 $0x4000, s31;
	s1 =	sadd.s32 s1, s30  }
0xbb: {  	s0 =	sor.u32 s3, s0;
	s1 =	sshll.u32 s1, $0x11  }
0xbc: {  	s0 =	sor.u32 s1, s0  }
0xbd: {  	s0 =	sadd.s32 $0x8F2B, s0  }
0xbe: {  	[sflag:s0] =	ssyncadd.remote.s32 $0x1  }
0xbf: {  	_ =	sfence.sel $0xFFFF  }
0xc0: {  	[dreg:$0x0] =	wrdreg $0xFFFFFFFF;
	(pc) =	sbr.abs _section_cstart, $3  }
0xc1: {  	[dreg:$0x1] =	wrdreg $0xFFFFFFFF  }
0xc2: {  	_ =	task.clear_ibuf [dreg:s7], $0x2FFFF;
	_ =	strace $0x9FFFFFFF  }
0xc3: {  	(tm) =	ssettm $0x7FFFFFFF  }
tec
execute0_lowered:
.L_overlay_start_1:
0x0: {  	(tag) =	ssettag $0x1  }
0x1: {  	s4 =	rddreg [dreg:$0x0]  }
0x2: {  	s0 =	srdreg.scid;
	s3 =	rddreg [dreg:$0x1]  }
0x3: {  	s7 =	stileid.u32;
	s1 =	rddreg [dreg:$0x2]  }
0x4: {  	s2 =	simm.s32 $0x0;
	s5 =	sand.u32 $0x1, s0;
	s26 =	sshll.u32 s7, $0x1  }
0x5: {  	s6 =	sor.u32 s5, s26;
	s9 =	smul.u32 $0x27100, s5;
	s5 =	ssub.s32 $0x2, s5  }
0x6: {  	p1 =	por $0x0, $0x0;
	s0 =	rddreg [dreg:$0x3];
	s29 =	sshrl.u32 s5, $0x1  }
0x7: {  	[smem:$0x7FF] =	sst s2;
	s10 =	smul.u32 $0x2710, s7;
	s5 =	ssub.s32 s5, s29  }
0x8: {  	p0 =	sne.s32 s7, $0x0;
	s7 =	sshll.u32 s7, $0x6;
	s31 =	smax.u32 s5, $0x1  }
0x9: {  	_ =	strace $0x80000053;
	s8 =	smul.u32 $0x2710, s6;
	s14 =	sadd.s32 $0xFFFFFFFF, s31  }
0xa: {  	s7 =	sor.u32 $0x1C01, s7;
	s6 =	smul.u32 $0x1388, s6;
	p2 =	sne.s32 s14, $0x0  }
.Ltmp0:
0xb: {  	s30 =	sadd.s32 s10, s1;
	s28 =	sadd.s32 s10, s9;
	(pc) =	sbr.rel @!p2 .LBB2_3-.Ltmp0, $4  }
0xc: {  	s10 =	simm.s32 $0x1388;
	s9 =	sshrl.u32 s30, $0x3;
	s11 =	sadd.s32 s8, s4  }
0xd: {  	s8 =	sshrl.u32 s28, $0x3;
	s6 =	sshrl.u32 s6, $0x3;
	s5 =	simm.s32 $0x1  }
0xe: {  	s12 =	sadd.s32 s8, s4;
	s4 =	sadd.s32 s4, s6;
	s6 =	sadd.s32 $0xE400, s11  }
0xf: {  	s11 =	sshrl.u32 @!p0 s1, $0x3;
	s8 =	sadd.s32 $0x9420, s4;
	s4 =	sadd.s32 $0x5C600, s12  }
0x10: {  	s12 =	simm.s32 @!p0 $0x1C01;
	s13 =	simm.s32 @!p0 $0x1  }
0x11: {  	[spmem:s11], [sflag:s12] =	dma.local @!p0 [hbm:s3], $0x4E20  }
0x12: {  	_ =	swait.ge @!p0 [sflag:s13], $0x4E20  }
0x13: {  	[sflag:s13] =	ssyncset.done @!p0 $0x0  }
0x14: {  	[sflag:s13] =	ssyncadd.s32 @!p0 $0xFFFFB1E0  }
0x15: {  	[bflag:$0x0] =	sbarrier.arrive $0xFFFF  }
0x16: {  	[tilespmem:s2], [sflag:$0x1] =	stream.linear.gather [hbm4b:s8+s2], $0x1388, $0x38;
	[tilespmem:$0x17318] =	vst v63  }
0x17: {  	_ =	swait.ge [sflag:s5], $0x1388  }
0x18: {  	[sflag:s5] =	ssyncset.done $0x0  }
0x19: {  	[sflag:s5] =	ssyncadd.s32 $0xFFFFEC78  }
0x1a: {  	[tilespmem:s10], [sflag:$0x1] =	stream.linear.gather [hbm4b:s6+s2], $0x13880, $0x38;
	[tilespmem:$0x17318] =	vst v63  }
0x1b: {  	_ =	swait.ge [sflag:s5], $0x13880  }
0x1c: {  	[sflag:s5] =	ssyncset.done $0x0  }
0x1d: {  	[sflag:s5] =	ssyncadd.s32 $0xFFFEC780  }
0x1e: {  	[spmem:s1] =	stream.indirect.scatter.add.f32 [tilespmem:s10], [sflag:$0x1], $0x10, s2, s10, $0xb8;
	[tilespmem:$0x17318] =	vst v63  }
0x1f: {  	s14 =	sadd.s32 $0xFFFFFFFF, s14;
	_ =	swait.ge [sflag:s5], $0x13880  }
0x20: {  	p2 =	sne.s32 s14, $0x0;
	[sflag:s5] =	ssyncset.done $0x0  }
.Ltmp1:
0x21: {  	[sflag:s5] =	ssyncadd.s32 $0xFFFEC780;
	(pc) =	sbr.rel @!p2 .LBB2_3-.Ltmp1, $4  }
0x22: {  	[bflag:$0x0] =	sbarrier.arrive $0xFFFF  }
0x23: {  	[hbm:s4], [sflag:s7] =	dma.local [spmem:s9], $0x4E2  }
0x24: {  	_ =	swait.ge [sflag:s5], $0x4E2  }
0x25: {  	p1 =	por $0x1, $0x1;
	[sflag:s5] =	ssyncset.done $0x0  }
.LBB2_2:
0x26: {  	[sflag:s5] =	ssyncadd.s32 $0xFFFFFB1E  }
0x27: {  	[spmem:s11], [sflag:s12] =	dma.local @!p0 [hbm:s3], $0x4E20  }
0x28: {  	s14 =	sadd.s32 $0xFFFFFFFF, s14;
	_ =	swait.ge @!p0 [sflag:s13], $0x4E20  }
0x29: {  	p2 =	sne.s32 s14, $0x0;
	[sflag:s13] =	ssyncset.done @!p0 $0x0  }
0x2a: {  	[sflag:s13] =	ssyncadd.s32 @!p0 $0xFFFFB1E0  }
0x2b: {  	[bflag:$0x0] =	sbarrier.arrive $0xFFFF  }
0x2c: {  	[tilespmem:s2], [sflag:$0x1] =	stream.linear.gather [hbm4b:s8+s2], $0x1388, $0x38;
	[tilespmem:$0x17318] =	vst v63  }
0x2d: {  	_ =	swait.ge [sflag:s5], $0x1388  }
0x2e: {  	[sflag:s5] =	ssyncset.done $0x0  }
0x2f: {  	[sflag:s5] =	ssyncadd.s32 $0xFFFFEC78  }
0x30: {  	[tilespmem:s10], [sflag:$0x1] =	stream.linear.gather [hbm4b:s6+s2], $0x13880, $0x38;
	[tilespmem:$0x17318] =	vst v63  }
0x31: {  	_ =	swait.ge [sflag:s5], $0x13880  }
0x32: {  	[sflag:s5] =	ssyncset.done $0x0  }
0x33: {  	[sflag:s5] =	ssyncadd.s32 $0xFFFEC780  }
0x34: {  	[spmem:s1] =	stream.indirect.scatter.add.f32 [tilespmem:s10], [sflag:$0x1], $0x10, s2, s10, $0xb8;
	[tilespmem:$0x17318] =	vst v63  }
0x35: {  	_ =	swait.ge [sflag:s5], $0x13880  }
0x36: {  	[sflag:s5] =	ssyncset.done $0x0  }
.Ltmp2:
0x37: {  	[sflag:s5] =	ssyncadd.s32 $0xFFFEC780;
	(pc) =	sbr.rel @p2 .LBB2_2-.Ltmp2, $4  }
0x38: {  	[bflag:$0x0] =	sbarrier.arrive $0xFFFF  }
0x39: {  	[hbm:s4], [sflag:s7] =	dma.local [spmem:s9], $0x4E2  }
0x3a: {  	_ =	swait.ge [sflag:s5], $0x4E2  }
0x3b: {  	[sflag:s5] =	ssyncset.done $0x0  }
.LBB2_3:
0x3c: {  	s12 =	simm.s32 @!p0 $0x1C01;
	s13 =	simm.s32 @!p0 $0x1;
	[sflag:s5] =	ssyncadd.s32 @p1 $0xFFFFFB1E  }
0x3d: {  	[spmem:s11], [sflag:s12] =	dma.local @!p0 [hbm:s3], $0x4E20  }
0x3e: {  	_ =	swait.ge @!p0 [sflag:s13], $0x4E20  }
0x3f: {  	[sflag:s13] =	ssyncset.done @!p0 $0x0  }
0x40: {  	[sflag:s13] =	ssyncadd.s32 @!p0 $0xFFFFB1E0  }
0x41: {  	[bflag:$0x0] =	sbarrier.arrive $0xFFFF  }
0x42: {  	[tilespmem:s2], [sflag:$0x1] =	stream.linear.gather [hbm4b:s8+s2], $0x1388, $0x38;
	[tilespmem:$0x17318] =	vst v63  }
0x43: {  	_ =	swait.ge [sflag:s5], $0x1388  }
0x44: {  	[sflag:s5] =	ssyncset.done $0x0  }
0x45: {  	[sflag:s5] =	ssyncadd.s32 $0xFFFFEC78  }
0x46: {  	[tilespmem:s10], [sflag:$0x1] =	stream.linear.gather [hbm4b:s6+s2], $0x13880, $0x38;
	[tilespmem:$0x17318] =	vst v63  }
0x47: {  	_ =	swait.ge [sflag:s5], $0x13880  }
0x48: {  	[sflag:s5] =	ssyncset.done $0x0  }
0x49: {  	[sflag:s5] =	ssyncadd.s32 $0xFFFEC780  }
0x4a: {  	[spmem:s1] =	stream.indirect.scatter.add.f32 [tilespmem:s10], [sflag:$0x1], $0x10, s2, s10, $0xb8;
	[tilespmem:$0x17318] =	vst v63  }
0x4b: {  	_ =	swait.ge [sflag:s5], $0x13880  }
0x4c: {  	[sflag:s5] =	ssyncset.done $0x0  }
0x4d: {  	[sflag:s5] =	ssyncadd.s32 $0xFFFEC780  }
0x4e: {  	[bflag:$0x0] =	sbarrier.arrive $0xFFFF  }
0x4f: {  	[hbm:s4], [sflag:s7] =	dma.local [spmem:s9], $0x4E2  }
0x50: {  	_ =	swait.ge [sflag:s5], $0x4E2  }
0x51: {  	[sflag:s5] =	ssyncset.done $0x0  }
0x52: {  	[sflag:s5] =	ssyncadd.s32 $0xFFFFFB1E  }
0x53: {  	_ =	sfence.sel $0x180000  }
0x54: {  	[bflag:$0x0] =	sbarrier.arrive $0xFFFF  }
0x55: {  	_ =	strace $0x90000053  }
0x56: {  	s0 =	sadd.s32 @!p0 $0x100000, s0;
	[bflag:$0x2] =	sbarrier.arrive $0xFFFF  }
0x57: {  	[sflag:s0] =	ssyncadd.tile.s32 @!p0 $0x1;
	_ =	shalt  }
.Lfunc_end2:
_tile_overlayer_lowered:
.L_overlay_start_2:
0x58: {  	(tag) =	ssettag $0x2  }
0x59: {  	s0 =	rddreg [dreg:$0x0];
	s2 =	stileid.u32  }
0x5a: {  	s1 =	rddreg [dreg:$0x1];
	p0 =	sne.s32 s2, $0x0  }
0x5b: {  	s3 =	rddreg [dreg:$0x2];
	[bflag:$0x3] =	sbarrier.arrive $0xFFFF;
	s2 =	simm.s32 @!p0 $0x1C01  }
0x5c: {  	[timem:s3], [sflag:s2] =	dma.local @!p0 [hbm:s0], s1  }
0x5d: {  	s0 =	simm.s32 @!p0 $0x1  }
0x5e: {  	_ =	swait.ge @!p0 [sflag:s0], s1  }
0x5f: {  	s1 =	ssub.s32 @!p0 $0x0, s1;
	[sflag:s0] =	ssyncset.done @!p0 $0x0  }
0x60: {  	[sflag:s0] =	ssyncadd.s32 @!p0 s1  }
0x61: {  	[bflag:$0x3] =	sbarrier.arrive $0xFFFF  }
0x62: {  	_ =	shalt  }

</sc_bundles>
